<compile_context>
chip_gen: v7x
topology: tpu7x:2x2x1
jax: 0.10.2.dev20260603
libtpu: 0.0.44.dev20260713+nightly
codegen_flags: <defaults>
</compile_context>

<pallas_src>
import functools

import jax
import jax.numpy as jnp
from jax import lax
from jax.experimental import pallas as pl
from jax.experimental.pallas import tpu as pltpu
from jax.experimental.pallas import tpu_sc as plsc

EMBED_K = 32
BATCH = 16384
NROWS = 1000000
NC = 2
NS = 16
LANES = 16
NW = NC * NS
B_PER_W = BATCH // NW
GROUPS = B_PER_W // LANES

BLK = 32768
NBLK = (NROWS + BLK - 1) // BLK


def _matvec_body(lw_ref, wt_ref, ht_ref, p_ref, q_ref):
    wu = lw_ref[:, :EMBED_K]
    wv = lw_ref[:, EMBED_K:]
    p = jax.lax.dot_general(wu, wt_ref[...], (((1,), (0,)), ((), ())),
                            preferred_element_type=jnp.float32)
    q = jax.lax.dot_general(wv, ht_ref[...], (((1,), (0,)), ((), ())),
                            preferred_element_type=jnp.float32)
    p_ref[...] = p[0]
    q_ref[...] = q[0]


def _gather_body(uidx_hbm, iidx_hbm, p_hbm, q_hbm, wb_hbm, out_hbm,
                 uidx_v, iidx_v, pu_v, qv_v, wb_v, out_v, sem):
    wid = lax.axis_index("s") * NC + lax.axis_index("c")
    base = wid * B_PER_W

    c1 = pltpu.async_copy(uidx_hbm.at[pl.ds(base, B_PER_W)], uidx_v, sem)
    c2 = pltpu.async_copy(iidx_hbm.at[pl.ds(base, B_PER_W)], iidx_v, sem)
    c3 = pltpu.async_copy(wb_hbm, wb_v, sem)
    c1.wait()
    c2.wait()
    c3.wait()

    def fire(g, carry):
        uvec = uidx_v[pl.ds(g * LANES, LANES)]
        ivec = iidx_v[pl.ds(g * LANES, LANES)]
        for j in range(LANES):
            r = g * LANES + j
            ua = pl.multiple_of((uvec[j] >> 3) << 3, 8)
            ia = pl.multiple_of((ivec[j] >> 3) << 3, 8)
            pltpu.async_copy(p_hbm.at[pl.ds(ua, 8)],
                             pu_v.at[pl.ds(r * 8, 8)], sem)
            pltpu.async_copy(q_hbm.at[pl.ds(ia, 8)],
                             qv_v.at[pl.ds(r * 8, 8)], sem)
        return carry

    lax.fori_loop(0, GROUPS, fire, 0, unroll=False)

    pltpu.make_async_copy(p_hbm.at[pl.ds(0, 8 * B_PER_W)], pu_v, sem).wait()
    pltpu.make_async_copy(q_hbm.at[pl.ds(0, 8 * B_PER_W)], qv_v, sem).wait()

    bias = wb_v[pl.ds(0, LANES)][0]
    lane8 = lax.iota(jnp.int32, LANES) * 8

    def group(g, carry):
        uoff = uidx_v[pl.ds(g * LANES, LANES)] & 7
        ioff = iidx_v[pl.ds(g * LANES, LANES)] & 7
        addr0 = g * (LANES * 8) + lane8
        zu = plsc.load_gather(pu_v, [addr0 + uoff])
        zv = plsc.load_gather(qv_v, [addr0 + ioff])
        z = zu + zv + bias
        out_v[pl.ds(g * LANES, LANES)] = 1.0 / (1.0 + jnp.exp(-z))
        return carry

    lax.fori_loop(0, GROUPS, group, 0, unroll=False)

    pltpu.sync_copy(out_v, out_hbm.at[pl.ds(base, B_PER_W)])


@functools.partial(jax.jit, static_argnames=())
def kernel(x, W, H, lin_w, lin_b):
    uidx = x[:, 0].astype(jnp.int32)
    iidx = x[:, 1].astype(jnp.int32)
    wt = W.T
    ht = H.T

    p, q = pl.pallas_call(
        _matvec_body,
        grid=(NBLK,),
        in_specs=[
            pl.BlockSpec((1, 2 * EMBED_K), lambda b: (0, 0)),
            pl.BlockSpec((EMBED_K, BLK), lambda b: (0, b)),
            pl.BlockSpec((EMBED_K, BLK), lambda b: (0, b)),
        ],
        out_specs=[
            pl.BlockSpec((BLK,), lambda b: (b,)),
            pl.BlockSpec((BLK,), lambda b: (b,)),
        ],
        out_shape=[
            jax.ShapeDtypeStruct((NROWS,), jnp.float32),
            jax.ShapeDtypeStruct((NROWS,), jnp.float32),
        ],
    )(lin_w, wt, ht)

    wb = jnp.concatenate(
        [lin_b.reshape(-1), jnp.zeros((15,), jnp.float32)]).astype(jnp.float32)

    mesh = plsc.VectorSubcoreMesh(core_axis_name="c", subcore_axis_name="s")
    run = pl.kernel(
        _gather_body,
        mesh=mesh,
        compiler_params=pltpu.CompilerParams(needs_layout_passes=False),
        out_type=jax.ShapeDtypeStruct((BATCH,), jnp.float32),
        scratch_types=[
            pltpu.VMEM((B_PER_W,), jnp.int32),
            pltpu.VMEM((B_PER_W,), jnp.int32),
            pltpu.VMEM((8 * B_PER_W,), jnp.float32),
            pltpu.VMEM((8 * B_PER_W,), jnp.float32),
            pltpu.VMEM((16,), jnp.float32),
            pltpu.VMEM((B_PER_W,), jnp.float32),
            pltpu.SemaphoreType.DMA,
        ],
    )
    return run(uidx, iidx, p, q, wb)

# --- scband reference (transcript-rebuilt; emitter-appended) ---
"""Pipeline reference for scband-ncf-10866267259501 (READ-ONLY COPY).

The authoritative reference and input builder live on the scoring server;
editing this copy changes nothing except your own understanding.
"""

import jax, jax.numpy as jnp
import numpy as np

NUM_USERS = 1000000
NUM_ITEMS = 1000000
EMBED_K = 32
BATCH = 16384

def setup_inputs(seed: int = 0) -> dict:
    key = jax.random.key(seed)
    k1, k2, k3, k4, k5 = jax.random.split(key, 5)
    x = jax.random.randint(k1, (BATCH, 2), 0, NUM_USERS, dtype=jnp.int64) if jax.config.jax_enable_x64 else jax.random.randint(k1, (BATCH, 2), 0, NUM_USERS, dtype=jnp.int32)
    W = jax.random.normal(k2, (NUM_USERS, EMBED_K), dtype=jnp.float32)
    H = jax.random.normal(k3, (NUM_ITEMS, EMBED_K), dtype=jnp.float32)
    lim = 1.0 / np.sqrt(2 * EMBED_K)
    lin_w = jax.random.uniform(k4, (1, 2 * EMBED_K), dtype=jnp.float32, minval=-lim, maxval=lim)
    lin_b = jax.random.uniform(k5, (1,), dtype=jnp.float32, minval=-lim, maxval=lim)
    return {"x": x, "W": W, "H": H, "lin_w": lin_w, "lin_b": lin_b}

def reference(x, W, H, lin_w, lin_b):
    # NCF forward (is_training=False path)
    user_idx = x[:, 0]
    item_idx = x[:, 1]
    U_emb = jnp.take(W, user_idx, axis=0)
    V_emb = jnp.take(H, item_idx, axis=0)
    z_emb = jnp.concatenate([U_emb, V_emb], axis=1)
    out = (z_emb @ lin_w.T + lin_b).squeeze(-1)
    return jax.nn.sigmoid(out)

if __name__ == "__main__":
    import jax
    _d = setup_inputs()
    print(jax.jit(kernel)(*tuple(_d.values())))

</pallas_src>

<mosaic_0001>
#map = affine_map<(d0, d1) -> (0)>
module attributes {stable_mosaic.version = 14 : i64} {
  func.func @_gather_body(%arg0: i32, %arg1: i32, %arg2: memref<16384xi32, #tpu.memory_space<hbm>>, %arg3: memref<16384xi32, #tpu.memory_space<hbm>>, %arg4: memref<1000000xf32, #tpu.memory_space<hbm>>, %arg5: memref<1000000xf32, #tpu.memory_space<hbm>>, %arg6: memref<16xf32, #tpu.memory_space<hbm>>, %arg7: memref<16384xf32, #tpu.memory_space<hbm>>, %arg8: memref<512xi32, #tpu.memory_space<vmem>>, %arg9: memref<512xi32, #tpu.memory_space<vmem>>, %arg10: memref<4096xf32, #tpu.memory_space<vmem>>, %arg11: memref<4096xf32, #tpu.memory_space<vmem>>, %arg12: memref<16xf32, #tpu.memory_space<vmem>>, %arg13: memref<512xf32, #tpu.memory_space<vmem>>, %arg14: memref<!tpu.dma_semaphore, #tpu.memory_space<semaphore_mem>>) attributes {dimension_semantics = [#tpu.dimension_semantics<core_parallel>, #tpu.dimension_semantics<subcore_parallel>], iteration_bounds = array<i64: 2, 16>, scalar_prefetch = 0 : i64, scratch_operands = 7 : i64, tpu.core_type = #tpu.core_type<sc_vector_subcore>, window_params = [{transform_indices = #map}, {transform_indices = #map}, {transform_indices = #map}, {transform_indices = #map}, {transform_indices = #map}, {transform_indices = #map}]} {
    %mul3A = arith.constant 2 : i32
    %mul3A_0 = arith.muli %arg1, %mul3A : i32
    %add3A = arith.addi %mul3A_0, %arg0 : i32
    %mul3A_1 = arith.constant 512 : i32
    %mul3A_2 = arith.muli %add3A, %mul3A_1 : i32
    %dma_start3A = tpu.memref_slice %arg2[%mul3A_2] : memref<16384xi32, #tpu.memory_space<hbm>> -> memref<512xi32, #tpu.memory_space<hbm>>
    %dma_start3A_3 = tpu.memref_slice %arg2[%mul3A_2] : memref<16384xi32, #tpu.memory_space<hbm>> -> memref<512xi32, #tpu.memory_space<hbm>>
    tpu.enqueue_dma source(%dma_start3A_3 : memref<512xi32, #tpu.memory_space<hbm>>) target(%arg8 : memref<512xi32, #tpu.memory_space<vmem>>) target_semaphore(%arg14 : memref<!tpu.dma_semaphore, #tpu.memory_space<semaphore_mem>>)
    %dma_start3A_4 = tpu.memref_slice %arg3[%mul3A_2] : memref<16384xi32, #tpu.memory_space<hbm>> -> memref<512xi32, #tpu.memory_space<hbm>>
    %dma_start3A_5 = tpu.memref_slice %arg3[%mul3A_2] : memref<16384xi32, #tpu.memory_space<hbm>> -> memref<512xi32, #tpu.memory_space<hbm>>
    tpu.enqueue_dma source(%dma_start3A_5 : memref<512xi32, #tpu.memory_space<hbm>>) target(%arg9 : memref<512xi32, #tpu.memory_space<vmem>>) target_semaphore(%arg14 : memref<!tpu.dma_semaphore, #tpu.memory_space<semaphore_mem>>)
    tpu.enqueue_dma source(%arg6 : memref<16xf32, #tpu.memory_space<hbm>>) target(%arg12 : memref<16xf32, #tpu.memory_space<vmem>>) target_semaphore(%arg14 : memref<!tpu.dma_semaphore, #tpu.memory_space<semaphore_mem>>)
    %dma_wait3A = tpu.memref_slice %arg2[%mul3A_2] : memref<16384xi32, #tpu.memory_space<hbm>> -> memref<512xi32, #tpu.memory_space<hbm>>
    %dma_wait3A_6 = tpu.memref_slice %arg2[%mul3A_2] : memref<16384xi32, #tpu.memory_space<hbm>> -> memref<512xi32, #tpu.memory_space<hbm>>
    tpu.wait_dma2 semaphore(%arg14 : memref<!tpu.dma_semaphore, #tpu.memory_space<semaphore_mem>>) src(%dma_wait3A_6 : memref<512xi32, #tpu.memory_space<hbm>>) dst(%arg8 : memref<512xi32, #tpu.memory_space<vmem>>)
    %dma_wait3A_7 = tpu.memref_slice %arg3[%mul3A_2] : memref<16384xi32, #tpu.memory_space<hbm>> -> memref<512xi32, #tpu.memory_space<hbm>>
    %dma_wait3A_8 = tpu.memref_slice %arg3[%mul3A_2] : memref<16384xi32, #tpu.memory_space<hbm>> -> memref<512xi32, #tpu.memory_space<hbm>>
    tpu.wait_dma2 semaphore(%arg14 : memref<!tpu.dma_semaphore, #tpu.memory_space<semaphore_mem>>) src(%dma_wait3A_8 : memref<512xi32, #tpu.memory_space<hbm>>) dst(%arg9 : memref<512xi32, #tpu.memory_space<vmem>>)
    tpu.wait_dma2 semaphore(%arg14 : memref<!tpu.dma_semaphore, #tpu.memory_space<semaphore_mem>>) src(%arg6 : memref<16xf32, #tpu.memory_space<hbm>>) dst(%arg12 : memref<16xf32, #tpu.memory_space<vmem>>)
    %scan3A = arith.constant 0 : i32
    %scan3A_9 = arith.constant 0 : i32
    %scan3A_10 = arith.constant 32 : i32
    %scan3A_11 = arith.addi %scan3A_9, %scan3A_10 : i32
    %scan3A_12 = arith.constant 1 : i32
    scf.for %scan3A_32 = %scan3A_9 to %scan3A_11 step %scan3A_12  : i32 {
      %mul3A_33 = arith.constant 16 : i32
      %mul3A_34 = arith.muli %scan3A_32, %mul3A_33 : i32
      %get3A_35 = arith.index_cast %mul3A_34 : i32 to index
      %get3A_36 = tpu.vector_load %arg8[%get3A_35] {strides = array<i32>} : memref<512xi32, #tpu.memory_space<vmem>>, vector<16xi32>,
      %mul3A_37 = arith.constant 16 : i32
      %mul3A_38 = arith.muli %scan3A_32, %mul3A_37 : i32
      %get3A_39 = arith.index_cast %mul3A_38 : i32 to index
      %get3A_40 = tpu.vector_load %arg9[%get3A_39] {strides = array<i32>} : memref<512xi32, #tpu.memory_space<vmem>>, vector<16xi32>,
      %mul3A_41 = arith.constant 16 : i32
      %mul3A_42 = arith.muli %scan3A_32, %mul3A_41 : i32
      %add3A_43 = arith.constant 0 : i32
      %add3A_44 = arith.addi %mul3A_42, %add3A_43 : i32
      %slice3A_45 = vector.extract_strided_slice %get3A_36 {offsets = [0], sizes = [1], strides = [1]} : vector<16xi32> to vector<1xi32>
      %squeeze3A_46 = vector.extract %slice3A_45[0] : i32 from vector<1xi32>
      %shift_right_arithmetic3A = arith.constant 3 : i32
      %shift_right_arithmetic3A_47 = arith.shrsi %squeeze3A_46, %shift_right_arithmetic3A : i32
      %shift_left3A = arith.constant 3 : i32
      %shift_left3A_48 = arith.shli %shift_right_arithmetic3A_47, %shift_left3A : i32
      %multiple_of3A = tpu.assume_multiple %shift_left3A_48, 8 : i32
      %slice3A_49 = vector.extract_strided_slice %get3A_40 {offsets = [0], sizes = [1], strides = [1]} : vector<16xi32> to vector<1xi32>
      %squeeze3A_50 = vector.extract %slice3A_49[0] : i32 from vector<1xi32>
      %shift_right_arithmetic3A_51 = arith.constant 3 : i32
      %shift_right_arithmetic3A_52 = arith.shrsi %squeeze3A_50, %shift_right_arithmetic3A_51 : i32
      %shift_left3A_53 = arith.constant 3 : i32
      %shift_left3A_54 = arith.shli %shift_right_arithmetic3A_52, %shift_left3A_53 : i32
      %multiple_of3A_55 = tpu.assume_multiple %shift_left3A_54, 8 : i32
      %mul3A_56 = arith.constant 8 : i32
      %mul3A_57 = arith.muli %add3A_44, %mul3A_56 : i32
      %dma_start3A_58 = tpu.memref_slice %arg10[%mul3A_57] : memref<4096xf32, #tpu.memory_space<vmem>> -> memref<8xf32, #tpu.memory_space<vmem>>
      %dma_start3A_59 = tpu.memref_slice %arg4[%multiple_of3A] : memref<1000000xf32, #tpu.memory_space<hbm>> -> memref<8xf32, #tpu.memory_space<hbm>>
      %dma_start3A_60 = tpu.memref_slice %arg10[%mul3A_57] : memref<4096xf32, #tpu.memory_space<vmem>> -> memref<8xf32, #tpu.memory_space<vmem>>
      %dma_start3A_61 = tpu.memref_slice %arg4[%multiple_of3A] : memref<1000000xf32, #tpu.memory_space<hbm>> -> memref<8xf32, #tpu.memory_space<hbm>>
      tpu.enqueue_dma source(%dma_start3A_61 : memref<8xf32, #tpu.memory_space<hbm>>) target(%dma_start3A_60 : memref<8xf32, #tpu.memory_space<vmem>>) target_semaphore(%arg14 : memref<!tpu.dma_semaphore, #tpu.memory_space<semaphore_mem>>)
      %mul3A_62 = arith.constant 8 : i32
      %mul3A_63 = arith.muli %add3A_44, %mul3A_62 : i32
      %dma_start3A_64 = tpu.memref_slice %arg11[%mul3A_63] : memref<4096xf32, #tpu.memory_space<vmem>> -> memref<8xf32, #tpu.memory_space<vmem>>
      %dma_start3A_65 = tpu.memref_slice %arg5[%multiple_of3A_55] : memref<1000000xf32, #tpu.memory_space<hbm>> -> memref<8xf32, #tpu.memory_space<hbm>>
      %dma_start3A_66 = tpu.memref_slice %arg11[%mul3A_63] : memref<4096xf32, #tpu.memory_space<vmem>> -> memref<8xf32, #tpu.memory_space<vmem>>
      %dma_start3A_67 = tpu.memref_slice %arg5[%multiple_of3A_55] : memref<1000000xf32, #tpu.memory_space<hbm>> -> memref<8xf32, #tpu.memory_space<hbm>>
      tpu.enqueue_dma source(%dma_start3A_67 : memref<8xf32, #tpu.memory_space<hbm>>) target(%dma_start3A_66 : memref<8xf32, #tpu.memory_space<vmem>>) target_semaphore(%arg14 : memref<!tpu.dma_semaphore, #tpu.memory_space<semaphore_mem>>)
      %mul3A_68 = arith.constant 16 : i32
      %mul3A_69 = arith.muli %scan3A_32, %mul3A_68 : i32
      %add3A_70 = arith.constant 1 : i32
      %add3A_71 = arith.addi %mul3A_69, %add3A_70 : i32
      %slice3A_72 = vector.extract_strided_slice %get3A_36 {offsets = [1], sizes = [1], strides = [1]} : vector<16xi32> to vector<1xi32>
      %squeeze3A_73 = vector.extract %slice3A_72[0] : i32 from vector<1xi32>
      %shift_right_arithmetic3A_74 = arith.constant 3 : i32
      %shift_right_arithmetic3A_75 = arith.shrsi %squeeze3A_73, %shift_right_arithmetic3A_74 : i32
      %shift_left3A_76 = arith.constant 3 : i32
      %shift_left3A_77 = arith.shli %shift_right_arithmetic3A_75, %shift_left3A_76 : i32
      %multiple_of3A_78 = tpu.assume_multiple %shift_left3A_77, 8 : i32
      %slice3A_79 = vector.extract_strided_slice %get3A_40 {offsets = [1], sizes = [1], strides = [1]} : vector<16xi32> to vector<1xi32>
      %squeeze3A_80 = vector.extract %slice3A_79[0] : i32 from vector<1xi32>
      %shift_right_arithmetic3A_81 = arith.constant 3 : i32
      %shift_right_arithmetic3A_82 = arith.shrsi %squeeze3A_80, %shift_right_arithmetic3A_81 : i32
      %shift_left3A_83 = arith.constant 3 : i32
      %shift_left3A_84 = arith.shli %shift_right_arithmetic3A_82, %shift_left3A_83 : i32
      %multiple_of3A_85 = tpu.assume_multiple %shift_left3A_84, 8 : i32
      %mul3A_86 = arith.constant 8 : i32
      %mul3A_87 = arith.muli %add3A_71, %mul3A_86 : i32
      %dma_start3A_88 = tpu.memref_slice %arg10[%mul3A_87] : memref<4096xf32, #tpu.memory_space<vmem>> -> memref<8xf32, #tpu.memory_space<vmem>>
      %dma_start3A_89 = tpu.memref_slice %arg4[%multiple_of3A_78] : memref<1000000xf32, #tpu.memory_space<hbm>> -> memref<8xf32, #tpu.memory_space<hbm>>
      %dma_start3A_90 = tpu.memref_slice %arg10[%mul3A_87] : memref<4096xf32, #tpu.memory_space<vmem>> -> memref<8xf32, #tpu.memory_space<vmem>>
      %dma_start3A_91 = tpu.memref_slice %arg4[%multiple_of3A_78] : memref<1000000xf32, #tpu.memory_space<hbm>> -> memref<8xf32, #tpu.memory_space<hbm>>
      tpu.enqueue_dma source(%dma_start3A_91 : memref<8xf32, #tpu.memory_space<hbm>>) target(%dma_start3A_90 : memref<8xf32, #tpu.memory_space<vmem>>) target_semaphore(%arg14 : memref<!tpu.dma_semaphore, #tpu.memory_space<semaphore_mem>>)
      %mul3A_92 = arith.constant 8 : i32
      %mul3A_93 = arith.muli %add3A_71, %mul3A_92 : i32
      %dma_start3A_94 = tpu.memref_slice %arg11[%mul3A_93] : memref<4096xf32, #tpu.memory_space<vmem>> -> memref<8xf32, #tpu.memory_space<vmem>>
      %dma_start3A_95 = tpu.memref_slice %arg5[%multiple_of3A_85] : memref<1000000xf32, #tpu.memory_space<hbm>> -> memref<8xf32, #tpu.memory_space<hbm>>
      %dma_start3A_96 = tpu.memref_slice %arg11[%mul3A_93] : memref<4096xf32, #tpu.memory_space<vmem>> -> memref<8xf32, #tpu.memory_space<vmem>>
      %dma_start3A_97 = tpu.memref_slice %arg5[%multiple_of3A_85] : memref<1000000xf32, #tpu.memory_space<hbm>> -> memref<8xf32, #tpu.memory_space<hbm>>
      tpu.enqueue_dma source(%dma_start3A_97 : memref<8xf32, #tpu.memory_space<hbm>>) target(%dma_start3A_96 : memref<8xf32, #tpu.memory_space<vmem>>) target_semaphore(%arg14 : memref<!tpu.dma_semaphore, #tpu.memory_space<semaphore_mem>>)
      %mul3A_98 = arith.constant 16 : i32
      %mul3A_99 = arith.muli %scan3A_32, %mul3A_98 : i32
      %add3A_100 = arith.constant 2 : i32
      %add3A_101 = arith.addi %mul3A_99, %add3A_100 : i32
      %slice3A_102 = vector.extract_strided_slice %get3A_36 {offsets = [2], sizes = [1], strides = [1]} : vector<16xi32> to vector<1xi32>
      %squeeze3A_103 = vector.extract %slice3A_102[0] : i32 from vector<1xi32>
      %shift_right_arithmetic3A_104 = arith.constant 3 : i32
      %shift_right_arithmetic3A_105 = arith.shrsi %squeeze3A_103, %shift_right_arithmetic3A_104 : i32
      %shift_left3A_106 = arith.constant 3 : i32
      %shift_left3A_107 = arith.shli %shift_right_arithmetic3A_105, %shift_left3A_106 : i32
      %multiple_of3A_108 = tpu.assume_multiple %shift_left3A_107, 8 : i32
      %slice3A_109 = vector.extract_strided_slice %get3A_40 {offsets = [2], sizes = [1], strides = [1]} : vector<16xi32> to vector<1xi32>
      %squeeze3A_110 = vector.extract %slice3A_109[0] : i32 from vector<1xi32>
      %shift_right_arithmetic3A_111 = arith.constant 3 : i32
      %shift_right_arithmetic3A_112 = arith.shrsi %squeeze3A_110, %shift_right_arithmetic3A_111 : i32
      %shift_left3A_113 = arith.constant 3 : i32
      %shift_left3A_114 = arith.shli %shift_right_arithmetic3A_112, %shift_left3A_113 : i32
      %multiple_of3A_115 = tpu.assume_multiple %shift_left3A_114, 8 : i32
      %mul3A_116 = arith.constant 8 : i32
      %mul3A_117 = arith.muli %add3A_101, %mul3A_116 : i32
      %dma_start3A_118 = tpu.memref_slice %arg10[%mul3A_117] : memref<4096xf32, #tpu.memory_space<vmem>> -> memref<8xf32, #tpu.memory_space<vmem>>
      %dma_start3A_119 = tpu.memref_slice %arg4[%multiple_of3A_108] : memref<1000000xf32, #tpu.memory_space<hbm>> -> memref<8xf32, #tpu.memory_space<hbm>>
      %dma_start3A_120 = tpu.memref_slice %arg10[%mul3A_117] : memref<4096xf32, #tpu.memory_space<vmem>> -> memref<8xf32, #tpu.memory_space<vmem>>
      %dma_start3A_121 = tpu.memref_slice %arg4[%multiple_of3A_108] : memref<1000000xf32, #tpu.memory_space<hbm>> -> memref<8xf32, #tpu.memory_space<hbm>>
      tpu.enqueue_dma source(%dma_start3A_121 : memref<8xf32, #tpu.memory_space<hbm>>) target(%dma_start3A_120 : memref<8xf32, #tpu.memory_space<vmem>>) target_semaphore(%arg14 : memref<!tpu.dma_semaphore, #tpu.memory_space<semaphore_mem>>)
      %mul3A_122 = arith.constant 8 : i32
      %mul3A_123 = arith.muli %add3A_101, %mul3A_122 : i32
      %dma_start3A_124 = tpu.memref_slice %arg11[%mul3A_123] : memref<4096xf32, #tpu.memory_space<vmem>> -> memref<8xf32, #tpu.memory_space<vmem>>
      %dma_start3A_125 = tpu.memref_slice %arg5[%multiple_of3A_115] : memref<1000000xf32, #tpu.memory_space<hbm>> -> memref<8xf32, #tpu.memory_space<hbm>>
      %dma_start3A_126 = tpu.memref_slice %arg11[%mul3A_123] : memref<4096xf32, #tpu.memory_space<vmem>> -> memref<8xf32, #tpu.memory_space<vmem>>
      %dma_start3A_127 = tpu.memref_slice %arg5[%multiple_of3A_115] : memref<1000000xf32, #tpu.memory_space<hbm>> -> memref<8xf32, #tpu.memory_space<hbm>>
      tpu.enqueue_dma source(%dma_start3A_127 : memref<8xf32, #tpu.memory_space<hbm>>) target(%dma_start3A_126 : memref<8xf32, #tpu.memory_space<vmem>>) target_semaphore(%arg14 : memref<!tpu.dma_semaphore, #tpu.memory_space<semaphore_mem>>)
      %mul3A_128 = arith.constant 16 : i32
      %mul3A_129 = arith.muli %scan3A_32, %mul3A_128 : i32
      %add3A_130 = arith.constant 3 : i32
      %add3A_131 = arith.addi %mul3A_129, %add3A_130 : i32
      %slice3A_132 = vector.extract_strided_slice %get3A_36 {offsets = [3], sizes = [1], strides = [1]} : vector<16xi32> to vector<1xi32>
      %squeeze3A_133 = vector.extract %slice3A_132[0] : i32 from vector<1xi32>
      %shift_right_arithmetic3A_134 = arith.constant 3 : i32
      %shift_right_arithmetic3A_135 = arith.shrsi %squeeze3A_133, %shift_right_arithmetic3A_134 : i32
      %shift_left3A_136 = arith.constant 3 : i32
      %shift_left3A_137 = arith.shli %shift_right_arithmetic3A_135, %shift_left3A_136 : i32
      %multiple_of3A_138 = tpu.assume_multiple %shift_left3A_137, 8 : i32
      %slice3A_139 = vector.extract_strided_slice %get3A_40 {offsets = [3], sizes = [1], strides = [1]} : vector<16xi32> to vector<1xi32>
      %squeeze3A_140 = vector.extract %slice3A_139[0] : i32 from vector<1xi32>
      %shift_right_arithmetic3A_141 = arith.constant 3 : i32
      %shift_right_arithmetic3A_142 = arith.shrsi %squeeze3A_140, %shift_right_arithmetic3A_141 : i32
      %shift_left3A_143 = arith.constant 3 : i32
      %shift_left3A_144 = arith.shli %shift_right_arithmetic3A_142, %shift_left3A_143 : i32
      %multiple_of3A_145 = tpu.assume_multiple %shift_left3A_144, 8 : i32
      %mul3A_146 = arith.constant 8 : i32
      %mul3A_147 = arith.muli %add3A_131, %mul3A_146 : i32
      %dma_start3A_148 = tpu.memref_slice %arg10[%mul3A_147] : memref<4096xf32, #tpu.memory_space<vmem>> -> memref<8xf32, #tpu.memory_space<vmem>>
      %dma_start3A_149 = tpu.memref_slice %arg4[%multiple_of3A_138] : memref<1000000xf32, #tpu.memory_space<hbm>> -> memref<8xf32, #tpu.memory_space<hbm>>
      %dma_start3A_150 = tpu.memref_slice %arg10[%mul3A_147] : memref<4096xf32, #tpu.memory_space<vmem>> -> memref<8xf32, #tpu.memory_space<vmem>>
      %dma_start3A_151 = tpu.memref_slice %arg4[%multiple_of3A_138] : memref<1000000xf32, #tpu.memory_space<hbm>> -> memref<8xf32, #tpu.memory_space<hbm>>
      tpu.enqueue_dma source(%dma_start3A_151 : memref<8xf32, #tpu.memory_space<hbm>>) target(%dma_start3A_150 : memref<8xf32, #tpu.memory_space<vmem>>) target_semaphore(%arg14 : memref<!tpu.dma_semaphore, #tpu.memory_space<semaphore_mem>>)
      %mul3A_152 = arith.constant 8 : i32
      %mul3A_153 = arith.muli %add3A_131, %mul3A_152 : i32
      %dma_start3A_154 = tpu.memref_slice %arg11[%mul3A_153] : memref<4096xf32, #tpu.memory_space<vmem>> -> memref<8xf32, #tpu.memory_space<vmem>>
      %dma_start3A_155 = tpu.memref_slice %arg5[%multiple_of3A_145] : memref<1000000xf32, #tpu.memory_space<hbm>> -> memref<8xf32, #tpu.memory_space<hbm>>
      %dma_start3A_156 = tpu.memref_slice %arg11[%mul3A_153] : memref<4096xf32, #tpu.memory_space<vmem>> -> memref<8xf32, #tpu.memory_space<vmem>>
      %dma_start3A_157 = tpu.memref_slice %arg5[%multiple_of3A_145] : memref<1000000xf32, #tpu.memory_space<hbm>> -> memref<8xf32, #tpu.memory_space<hbm>>
      tpu.enqueue_dma source(%dma_start3A_157 : memref<8xf32, #tpu.memory_space<hbm>>) target(%dma_start3A_156 : memref<8xf32, #tpu.memory_space<vmem>>) target_semaphore(%arg14 : memref<!tpu.dma_semaphore, #tpu.memory_space<semaphore_mem>>)
      %mul3A_158 = arith.constant 16 : i32
      %mul3A_159 = arith.muli %scan3A_32, %mul3A_158 : i32
      %add3A_160 = arith.constant 4 : i32
      %add3A_161 = arith.addi %mul3A_159, %add3A_160 : i32
      %slice3A_162 = vector.extract_strided_slice %get3A_36 {offsets = [4], sizes = [1], strides = [1]} : vector<16xi32> to vector<1xi32>
      %squeeze3A_163 = vector.extract %slice3A_162[0] : i32 from vector<1xi32>
      %shift_right_arithmetic3A_164 = arith.constant 3 : i32
      %shift_right_arithmetic3A_165 = arith.shrsi %squeeze3A_163, %shift_right_arithmetic3A_164 : i32
      %shift_left3A_166 = arith.constant 3 : i32
      %shift_left3A_167 = arith.shli %shift_right_arithmetic3A_165, %shift_left3A_166 : i32
      %multiple_of3A_168 = tpu.assume_multiple %shift_left3A_167, 8 : i32
      %slice3A_169 = vector.extract_strided_slice %get3A_40 {offsets = [4], sizes = [1], strides = [1]} : vector<16xi32> to vector<1xi32>
      %squeeze3A_170 = vector.extract %slice3A_169[0] : i32 from vector<1xi32>
      %shift_right_arithmetic3A_171 = arith.constant 3 : i32
      %shift_right_arithmetic3A_172 = arith.shrsi %squeeze3A_170, %shift_right_arithmetic3A_171 : i32
      %shift_left3A_173 = arith.constant 3 : i32
      %shift_left3A_174 = arith.shli %shift_right_arithmetic3A_172, %shift_left3A_173 : i32
      %multiple_of3A_175 = tpu.assume_multiple %shift_left3A_174, 8 : i32
      %mul3A_176 = arith.constant 8 : i32
      %mul3A_177 = arith.muli %add3A_161, %mul3A_176 : i32
      %dma_start3A_178 = tpu.memref_slice %arg10[%mul3A_177] : memref<4096xf32, #tpu.memory_space<vmem>> -> memref<8xf32, #tpu.memory_space<vmem>>
      %dma_start3A_179 = tpu.memref_slice %arg4[%multiple_of3A_168] : memref<1000000xf32, #tpu.memory_space<hbm>> -> memref<8xf32, #tpu.memory_space<hbm>>
      %dma_start3A_180 = tpu.memref_slice %arg10[%mul3A_177] : memref<4096xf32, #tpu.memory_space<vmem>> -> memref<8xf32, #tpu.memory_space<vmem>>
      %dma_start3A_181 = tpu.memref_slice %arg4[%multiple_of3A_168] : memref<1000000xf32, #tpu.memory_space<hbm>> -> memref<8xf32, #tpu.memory_space<hbm>>
      tpu.enqueue_dma source(%dma_start3A_181 : memref<8xf32, #tpu.memory_space<hbm>>) target(%dma_start3A_180 : memref<8xf32, #tpu.memory_space<vmem>>) target_semaphore(%arg14 : memref<!tpu.dma_semaphore, #tpu.memory_space<semaphore_mem>>)
      %mul3A_182 = arith.constant 8 : i32
      %mul3A_183 = arith.muli %add3A_161, %mul3A_182 : i32
      %dma_start3A_184 = tpu.memref_slice %arg11[%mul3A_183] : memref<4096xf32, #tpu.memory_space<vmem>> -> memref<8xf32, #tpu.memory_space<vmem>>
      %dma_start3A_185 = tpu.memref_slice %arg5[%multiple_of3A_175] : memref<1000000xf32, #tpu.memory_space<hbm>> -> memref<8xf32, #tpu.memory_space<hbm>>
      %dma_start3A_186 = tpu.memref_slice %arg11[%mul3A_183] : memref<4096xf32, #tpu.memory_space<vmem>> -> memref<8xf32, #tpu.memory_space<vmem>>
      %dma_start3A_187 = tpu.memref_slice %arg5[%multiple_of3A_175] : memref<1000000xf32, #tpu.memory_space<hbm>> -> memref<8xf32, #tpu.memory_space<hbm>>
      tpu.enqueue_dma source(%dma_start3A_187 : memref<8xf32, #tpu.memory_space<hbm>>) target(%dma_start3A_186 : memref<8xf32, #tpu.memory_space<vmem>>) target_semaphore(%arg14 : memref<!tpu.dma_semaphore, #tpu.memory_space<semaphore_mem>>)
      %mul3A_188 = arith.constant 16 : i32
      %mul3A_189 = arith.muli %scan3A_32, %mul3A_188 : i32
      %add3A_190 = arith.constant 5 : i32
      %add3A_191 = arith.addi %mul3A_189, %add3A_190 : i32
      %slice3A_192 = vector.extract_strided_slice %get3A_36 {offsets = [5], sizes = [1], strides = [1]} : vector<16xi32> to vector<1xi32>
      %squeeze3A_193 = vector.extract %slice3A_192[0] : i32 from vector<1xi32>
      %shift_right_arithmetic3A_194 = arith.constant 3 : i32
      %shift_right_arithmetic3A_195 = arith.shrsi %squeeze3A_193, %shift_right_arithmetic3A_194 : i32
      %shift_left3A_196 = arith.constant 3 : i32
      %shift_left3A_197 = arith.shli %shift_right_arithmetic3A_195, %shift_left3A_196 : i32
      %multiple_of3A_198 = tpu.assume_multiple %shift_left3A_197, 8 : i32
      %slice3A_199 = vector.extract_strided_slice %get3A_40 {offsets = [5], sizes = [1], strides = [1]} : vector<16xi32> to vector<1xi32>
      %squeeze3A_200 = vector.extract %slice3A_199[0] : i32 from vector<1xi32>
      %shift_right_arithmetic3A_201 = arith.constant 3 : i32
      %shift_right_arithmetic3A_202 = arith.shrsi %squeeze3A_200, %shift_right_arithmetic3A_201 : i32
      %shift_left3A_203 = arith.constant 3 : i32
      %shift_left3A_204 = arith.shli %shift_right_arithmetic3A_202, %shift_left3A_203 : i32
      %multiple_of3A_205 = tpu.assume_multiple %shift_left3A_204, 8 : i32
      %mul3A_206 = arith.constant 8 : i32
      %mul3A_207 = arith.muli %add3A_191, %mul3A_206 : i32
      %dma_start3A_208 = tpu.memref_slice %arg10[%mul3A_207] : memref<4096xf32, #tpu.memory_space<vmem>> -> memref<8xf32, #tpu.memory_space<vmem>>
      %dma_start3A_209 = tpu.memref_slice %arg4[%multiple_of3A_198] : memref<1000000xf32, #tpu.memory_space<hbm>> -> memref<8xf32, #tpu.memory_space<hbm>>
      %dma_start3A_210 = tpu.memref_slice %arg10[%mul3A_207] : memref<4096xf32, #tpu.memory_space<vmem>> -> memref<8xf32, #tpu.memory_space<vmem>>
      %dma_start3A_211 = tpu.memref_slice %arg4[%multiple_of3A_198] : memref<1000000xf32, #tpu.memory_space<hbm>> -> memref<8xf32, #tpu.memory_space<hbm>>
      tpu.enqueue_dma source(%dma_start3A_211 : memref<8xf32, #tpu.memory_space<hbm>>) target(%dma_start3A_210 : memref<8xf32, #tpu.memory_space<vmem>>) target_semaphore(%arg14 : memref<!tpu.dma_semaphore, #tpu.memory_space<semaphore_mem>>)
      %mul3A_212 = arith.constant 8 : i32
      %mul3A_213 = arith.muli %add3A_191, %mul3A_212 : i32
      %dma_start3A_214 = tpu.memref_slice %arg11[%mul3A_213] : memref<4096xf32, #tpu.memory_space<vmem>> -> memref<8xf32, #tpu.memory_space<vmem>>
      %dma_start3A_215 = tpu.memref_slice %arg5[%multiple_of3A_205] : memref<1000000xf32, #tpu.memory_space<hbm>> -> memref<8xf32, #tpu.memory_space<hbm>>
      %dma_start3A_216 = tpu.memref_slice %arg11[%mul3A_213] : memref<4096xf32, #tpu.memory_space<vmem>> -> memref<8xf32, #tpu.memory_space<vmem>>
      %dma_start3A_217 = tpu.memref_slice %arg5[%multiple_of3A_205] : memref<1000000xf32, #tpu.memory_space<hbm>> -> memref<8xf32, #tpu.memory_space<hbm>>
      tpu.enqueue_dma source(%dma_start3A_217 : memref<8xf32, #tpu.memory_space<hbm>>) target(%dma_start3A_216 : memref<8xf32, #tpu.memory_space<vmem>>) target_semaphore(%arg14 : memref<!tpu.dma_semaphore, #tpu.memory_space<semaphore_mem>>)
      %mul3A_218 = arith.constant 16 : i32
      %mul3A_219 = arith.muli %scan3A_32, %mul3A_218 : i32
      %add3A_220 = arith.constant 6 : i32
      %add3A_221 = arith.addi %mul3A_219, %add3A_220 : i32
      %slice3A_222 = vector.extract_strided_slice %get3A_36 {offsets = [6], sizes = [1], strides = [1]} : vector<16xi32> to vector<1xi32>
      %squeeze3A_223 = vector.extract %slice3A_222[0] : i32 from vector<1xi32>
      %shift_right_arithmetic3A_224 = arith.constant 3 : i32
      %shift_right_arithmetic3A_225 = arith.shrsi %squeeze3A_223, %shift_right_arithmetic3A_224 : i32
      %shift_left3A_226 = arith.constant 3 : i32
      %shift_left3A_227 = arith.shli %shift_right_arithmetic3A_225, %shift_left3A_226 : i32
      %multiple_of3A_228 = tpu.assume_multiple %shift_left3A_227, 8 : i32
      %slice3A_229 = vector.extract_strided_slice %get3A_40 {offsets = [6], sizes = [1], strides = [1]} : vector<16xi32> to vector<1xi32>
      %squeeze3A_230 = vector.extract %slice3A_229[0] : i32 from vector<1xi32>
      %shift_right_arithmetic3A_231 = arith.constant 3 : i32
      %shift_right_arithmetic3A_232 = arith.shrsi %squeeze3A_230, %shift_right_arithmetic3A_231 : i32
      %shift_left3A_233 = arith.constant 3 : i32
      %shift_left3A_234 = arith.shli %shift_right_arithmetic3A_232, %shift_left3A_233 : i32
      %multiple_of3A_235 = tpu.assume_multiple %shift_left3A_234, 8 : i32
      %mul3A_236 = arith.constant 8 : i32
      %mul3A_237 = arith.muli %add3A_221, %mul3A_236 : i32
      %dma_start3A_238 = tpu.memref_slice %arg10[%mul3A_237] : memref<4096xf32, #tpu.memory_space<vmem>> -> memref<8xf32, #tpu.memory_space<vmem>>
      %dma_start3A_239 = tpu.memref_slice %arg4[%multiple_of3A_228] : memref<1000000xf32, #tpu.memory_space<hbm>> -> memref<8xf32, #tpu.memory_space<hbm>>
      %dma_start3A_240 = tpu.memref_slice %arg10[%mul3A_237] : memref<4096xf32, #tpu.memory_space<vmem>> -> memref<8xf32, #tpu.memory_space<vmem>>
      %dma_start3A_241 = tpu.memref_slice %arg4[%multiple_of3A_228] : memref<1000000xf32, #tpu.memory_space<hbm>> -> memref<8xf32, #tpu.memory_space<hbm>>
      tpu.enqueue_dma source(%dma_start3A_241 : memref<8xf32, #tpu.memory_space<hbm>>) target(%dma_start3A_240 : memref<8xf32, #tpu.memory_space<vmem>>) target_semaphore(%arg14 : memref<!tpu.dma_semaphore, #tpu.memory_space<semaphore_mem>>)
      %mul3A_242 = arith.constant 8 : i32
      %mul3A_243 = arith.muli %add3A_221, %mul3A_242 : i32
      %dma_start3A_244 = tpu.memref_slice %arg11[%mul3A_243] : memref<4096xf32, #tpu.memory_space<vmem>> -> memref<8xf32, #tpu.memory_space<vmem>>
      %dma_start3A_245 = tpu.memref_slice %arg5[%multiple_of3A_235] : memref<1000000xf32, #tpu.memory_space<hbm>> -> memref<8xf32, #tpu.memory_space<hbm>>
      %dma_start3A_246 = tpu.memref_slice %arg11[%mul3A_243] : memref<4096xf32, #tpu.memory_space<vmem>> -> memref<8xf32, #tpu.memory_space<vmem>>
      %dma_start3A_247 = tpu.memref_slice %arg5[%multiple_of3A_235] : memref<1000000xf32, #tpu.memory_space<hbm>> -> memref<8xf32, #tpu.memory_space<hbm>>
      tpu.enqueue_dma source(%dma_start3A_247 : memref<8xf32, #tpu.memory_space<hbm>>) target(%dma_start3A_246 : memref<8xf32, #tpu.memory_space<vmem>>) target_semaphore(%arg14 : memref<!tpu.dma_semaphore, #tpu.memory_space<semaphore_mem>>)
      %mul3A_248 = arith.constant 16 : i32
      %mul3A_249 = arith.muli %scan3A_32, %mul3A_248 : i32
      %add3A_250 = arith.constant 7 : i32
      %add3A_251 = arith.addi %mul3A_249, %add3A_250 : i32
      %slice3A_252 = vector.extract_strided_slice %get3A_36 {offsets = [7], sizes = [1], strides = [1]} : vector<16xi32> to vector<1xi32>
      %squeeze3A_253 = vector.extract %slice3A_252[0] : i32 from vector<1xi32>
      %shift_right_arithmetic3A_254 = arith.constant 3 : i32
      %shift_right_arithmetic3A_255 = arith.shrsi %squeeze3A_253, %shift_right_arithmetic3A_254 : i32
      %shift_left3A_256 = arith.constant 3 : i32
      %shift_left3A_257 = arith.shli %shift_right_arithmetic3A_255, %shift_left3A_256 : i32
      %multiple_of3A_258 = tpu.assume_multiple %shift_left3A_257, 8 : i32
      %slice3A_259 = vector.extract_strided_slice %get3A_40 {offsets = [7], sizes = [1], strides = [1]} : vector<16xi32> to vector<1xi32>
      %squeeze3A_260 = vector.extract %slice3A_259[0] : i32 from vector<1xi32>
      %shift_right_arithmetic3A_261 = arith.constant 3 : i32
      %shift_right_arithmetic3A_262 = arith.shrsi %squeeze3A_260, %shift_right_arithmetic3A_261 : i32
      %shift_left3A_263 = arith.constant 3 : i32
      %shift_left3A_264 = arith.shli %shift_right_arithmetic3A_262, %shift_left3A_263 : i32
      %multiple_of3A_265 = tpu.assume_multiple %shift_left3A_264, 8 : i32
      %mul3A_266 = arith.constant 8 : i32
      %mul3A_267 = arith.muli %add3A_251, %mul3A_266 : i32
      %dma_start3A_268 = tpu.memref_slice %arg10[%mul3A_267] : memref<4096xf32, #tpu.memory_space<vmem>> -> memref<8xf32, #tpu.memory_space<vmem>>
      %dma_start3A_269 = tpu.memref_slice %arg4[%multiple_of3A_258] : memref<1000000xf32, #tpu.memory_space<hbm>> -> memref<8xf32, #tpu.memory_space<hbm>>
      %dma_start3A_270 = tpu.memref_slice %arg10[%mul3A_267] : memref<4096xf32, #tpu.memory_space<vmem>> -> memref<8xf32, #tpu.memory_space<vmem>>
      %dma_start3A_271 = tpu.memref_slice %arg4[%multiple_of3A_258] : memref<1000000xf32, #tpu.memory_space<hbm>> -> memref<8xf32, #tpu.memory_space<hbm>>
      tpu.enqueue_dma source(%dma_start3A_271 : memref<8xf32, #tpu.memory_space<hbm>>) target(%dma_start3A_270 : memref<8xf32, #tpu.memory_space<vmem>>) target_semaphore(%arg14 : memref<!tpu.dma_semaphore, #tpu.memory_space<semaphore_mem>>)
      %mul3A_272 = arith.constant 8 : i32
      %mul3A_273 = arith.muli %add3A_251, %mul3A_272 : i32
      %dma_start3A_274 = tpu.memref_slice %arg11[%mul3A_273] : memref<4096xf32, #tpu.memory_space<vmem>> -> memref<8xf32, #tpu.memory_space<vmem>>
      %dma_start3A_275 = tpu.memref_slice %arg5[%multiple_of3A_265] : memref<1000000xf32, #tpu.memory_space<hbm>> -> memref<8xf32, #tpu.memory_space<hbm>>
      %dma_start3A_276 = tpu.memref_slice %arg11[%mul3A_273] : memref<4096xf32, #tpu.memory_space<vmem>> -> memref<8xf32, #tpu.memory_space<vmem>>
      %dma_start3A_277 = tpu.memref_slice %arg5[%multiple_of3A_265] : memref<1000000xf32, #tpu.memory_space<hbm>> -> memref<8xf32, #tpu.memory_space<hbm>>
      tpu.enqueue_dma source(%dma_start3A_277 : memref<8xf32, #tpu.memory_space<hbm>>) target(%dma_start3A_276 : memref<8xf32, #tpu.memory_space<vmem>>) target_semaphore(%arg14 : memref<!tpu.dma_semaphore, #tpu.memory_space<semaphore_mem>>)
      %mul3A_278 = arith.constant 16 : i32
      %mul3A_279 = arith.muli %scan3A_32, %mul3A_278 : i32
      %add3A_280 = arith.constant 8 : i32
      %add3A_281 = arith.addi %mul3A_279, %add3A_280 : i32
      %slice3A_282 = vector.extract_strided_slice %get3A_36 {offsets = [8], sizes = [1], strides = [1]} : vector<16xi32> to vector<1xi32>
      %squeeze3A_283 = vector.extract %slice3A_282[0] : i32 from vector<1xi32>
      %shift_right_arithmetic3A_284 = arith.constant 3 : i32
      %shift_right_arithmetic3A_285 = arith.shrsi %squeeze3A_283, %shift_right_arithmetic3A_284 : i32
      %shift_left3A_286 = arith.constant 3 : i32
      %shift_left3A_287 = arith.shli %shift_right_arithmetic3A_285, %shift_left3A_286 : i32
      %multiple_of3A_288 = tpu.assume_multiple %shift_left3A_287, 8 : i32
      %slice3A_289 = vector.extract_strided_slice %get3A_40 {offsets = [8], sizes = [1], strides = [1]} : vector<16xi32> to vector<1xi32>
      %squeeze3A_290 = vector.extract %slice3A_289[0] : i32 from vector<1xi32>
      %shift_right_arithmetic3A_291 = arith.constant 3 : i32
      %shift_right_arithmetic3A_292 = arith.shrsi %squeeze3A_290, %shift_right_arithmetic3A_291 : i32
      %shift_left3A_293 = arith.constant 3 : i32
      %shift_left3A_294 = arith.shli %shift_right_arithmetic3A_292, %shift_left3A_293 : i32
      %multiple_of3A_295 = tpu.assume_multiple %shift_left3A_294, 8 : i32
      %mul3A_296 = arith.constant 8 : i32
      %mul3A_297 = arith.muli %add3A_281, %mul3A_296 : i32
      %dma_start3A_298 = tpu.memref_slice %arg10[%mul3A_297] : memref<4096xf32, #tpu.memory_space<vmem>> -> memref<8xf32, #tpu.memory_space<vmem>>
      %dma_start3A_299 = tpu.memref_slice %arg4[%multiple_of3A_288] : memref<1000000xf32, #tpu.memory_space<hbm>> -> memref<8xf32, #tpu.memory_space<hbm>>
      %dma_start3A_300 = tpu.memref_slice %arg10[%mul3A_297] : memref<4096xf32, #tpu.memory_space<vmem>> -> memref<8xf32, #tpu.memory_space<vmem>>
      %dma_start3A_301 = tpu.memref_slice %arg4[%multiple_of3A_288] : memref<1000000xf32, #tpu.memory_space<hbm>> -> memref<8xf32, #tpu.memory_space<hbm>>
      tpu.enqueue_dma source(%dma_start3A_301 : memref<8xf32, #tpu.memory_space<hbm>>) target(%dma_start3A_300 : memref<8xf32, #tpu.memory_space<vmem>>) target_semaphore(%arg14 : memref<!tpu.dma_semaphore, #tpu.memory_space<semaphore_mem>>)
      %mul3A_302 = arith.constant 8 : i32
      %mul3A_303 = arith.muli %add3A_281, %mul3A_302 : i32
      %dma_start3A_304 = tpu.memref_slice %arg11[%mul3A_303] : memref<4096xf32, #tpu.memory_space<vmem>> -> memref<8xf32, #tpu.memory_space<vmem>>
      %dma_start3A_305 = tpu.memref_slice %arg5[%multiple_of3A_295] : memref<1000000xf32, #tpu.memory_space<hbm>> -> memref<8xf32, #tpu.memory_space<hbm>>
      %dma_start3A_306 = tpu.memref_slice %arg11[%mul3A_303] : memref<4096xf32, #tpu.memory_space<vmem>> -> memref<8xf32, #tpu.memory_space<vmem>>
      %dma_start3A_307 = tpu.memref_slice %arg5[%multiple_of3A_295] : memref<1000000xf32, #tpu.memory_space<hbm>> -> memref<8xf32, #tpu.memory_space<hbm>>
      tpu.enqueue_dma source(%dma_start3A_307 : memref<8xf32, #tpu.memory_space<hbm>>) target(%dma_start3A_306 : memref<8xf32, #tpu.memory_space<vmem>>) target_semaphore(%arg14 : memref<!tpu.dma_semaphore, #tpu.memory_space<semaphore_mem>>)
      %mul3A_308 = arith.constant 16 : i32
      %mul3A_309 = arith.muli %scan3A_32, %mul3A_308 : i32
      %add3A_310 = arith.constant 9 : i32
      %add3A_311 = arith.addi %mul3A_309, %add3A_310 : i32
      %slice3A_312 = vector.extract_strided_slice %get3A_36 {offsets = [9], sizes = [1], strides = [1]} : vector<16xi32> to vector<1xi32>
      %squeeze3A_313 = vector.extract %slice3A_312[0] : i32 from vector<1xi32>
      %shift_right_arithmetic3A_314 = arith.constant 3 : i32
      %shift_right_arithmetic3A_315 = arith.shrsi %squeeze3A_313, %shift_right_arithmetic3A_314 : i32
      %shift_left3A_316 = arith.constant 3 : i32
      %shift_left3A_317 = arith.shli %shift_right_arithmetic3A_315, %shift_left3A_316 : i32
      %multiple_of3A_318 = tpu.assume_multiple %shift_left3A_317, 8 : i32
      %slice3A_319 = vector.extract_strided_slice %get3A_40 {offsets = [9], sizes = [1], strides = [1]} : vector<16xi32> to vector<1xi32>
      %squeeze3A_320 = vector.extract %slice3A_319[0] : i32 from vector<1xi32>
      %shift_right_arithmetic3A_321 = arith.constant 3 : i32
      %shift_right_arithmetic3A_322 = arith.shrsi %squeeze3A_320, %shift_right_arithmetic3A_321 : i32
      %shift_left3A_323 = arith.constant 3 : i32
      %shift_left3A_324 = arith.shli %shift_right_arithmetic3A_322, %shift_left3A_323 : i32
      %multiple_of3A_325 = tpu.assume_multiple %shift_left3A_324, 8 : i32
      %mul3A_326 = arith.constant 8 : i32
      %mul3A_327 = arith.muli %add3A_311, %mul3A_326 : i32
      %dma_start3A_328 = tpu.memref_slice %arg10[%mul3A_327] : memref<4096xf32, #tpu.memory_space<vmem>> -> memref<8xf32, #tpu.memory_space<vmem>>
      %dma_start3A_329 = tpu.memref_slice %arg4[%multiple_of3A_318] : memref<1000000xf32, #tpu.memory_space<hbm>> -> memref<8xf32, #tpu.memory_space<hbm>>
      %dma_start3A_330 = tpu.memref_slice %arg10[%mul3A_327] : memref<4096xf32, #tpu.memory_space<vmem>> -> memref<8xf32, #tpu.memory_space<vmem>>
      %dma_start3A_331 = tpu.memref_slice %arg4[%multiple_of3A_318] : memref<1000000xf32, #tpu.memory_space<hbm>> -> memref<8xf32, #tpu.memory_space<hbm>>
      tpu.enqueue_dma source(%dma_start3A_331 : memref<8xf32, #tpu.memory_space<hbm>>) target(%dma_start3A_330 : memref<8xf32, #tpu.memory_space<vmem>>) target_semaphore(%arg14 : memref<!tpu.dma_semaphore, #tpu.memory_space<semaphore_mem>>)
      %mul3A_332 = arith.constant 8 : i32
      %mul3A_333 = arith.muli %add3A_311, %mul3A_332 : i32
      %dma_start3A_334 = tpu.memref_slice %arg11[%mul3A_333] : memref<4096xf32, #tpu.memory_space<vmem>> -> memref<8xf32, #tpu.memory_space<vmem>>
      %dma_start3A_335 = tpu.memref_slice %arg5[%multiple_of3A_325] : memref<1000000xf32, #tpu.memory_space<hbm>> -> memref<8xf32, #tpu.memory_space<hbm>>
      %dma_start3A_336 = tpu.memref_slice %arg11[%mul3A_333] : memref<4096xf32, #tpu.memory_space<vmem>> -> memref<8xf32, #tpu.memory_space<vmem>>
      %dma_start3A_337 = tpu.memref_slice %arg5[%multiple_of3A_325] : memref<1000000xf32, #tpu.memory_space<hbm>> -> memref<8xf32, #tpu.memory_space<hbm>>
      tpu.enqueue_dma source(%dma_start3A_337 : memref<8xf32, #tpu.memory_space<hbm>>) target(%dma_start3A_336 : memref<8xf32, #tpu.memory_space<vmem>>) target_semaphore(%arg14 : memref<!tpu.dma_semaphore, #tpu.memory_space<semaphore_mem>>)
      %mul3A_338 = arith.constant 16 : i32
      %mul3A_339 = arith.muli %scan3A_32, %mul3A_338 : i32
      %add3A_340 = arith.constant 10 : i32
      %add3A_341 = arith.addi %mul3A_339, %add3A_340 : i32
      %slice3A_342 = vector.extract_strided_slice %get3A_36 {offsets = [10], sizes = [1], strides = [1]} : vector<16xi32> to vector<1xi32>
      %squeeze3A_343 = vector.extract %slice3A_342[0] : i32 from vector<1xi32>
      %shift_right_arithmetic3A_344 = arith.constant 3 : i32
      %shift_right_arithmetic3A_345 = arith.shrsi %squeeze3A_343, %shift_right_arithmetic3A_344 : i32
      %shift_left3A_346 = arith.constant 3 : i32
      %shift_left3A_347 = arith.shli %shift_right_arithmetic3A_345, %shift_left3A_346 : i32
      %multiple_of3A_348 = tpu.assume_multiple %shift_left3A_347, 8 : i32
      %slice3A_349 = vector.extract_strided_slice %get3A_40 {offsets = [10], sizes = [1], strides = [1]} : vector<16xi32> to vector<1xi32>
      %squeeze3A_350 = vector.extract %slice3A_349[0] : i32 from vector<1xi32>
      %shift_right_arithmetic3A_351 = arith.constant 3 : i32
      %shift_right_arithmetic3A_352 = arith.shrsi %squeeze3A_350, %shift_right_arithmetic3A_351 : i32
      %shift_left3A_353 = arith.constant 3 : i32
      %shift_left3A_354 = arith.shli %shift_right_arithmetic3A_352, %shift_left3A_353 : i32
      %multiple_of3A_355 = tpu.assume_multiple %shift_left3A_354, 8 : i32
      %mul3A_356 = arith.constant 8 : i32
      %mul3A_357 = arith.muli %add3A_341, %mul3A_356 : i32
      %dma_start3A_358 = tpu.memref_slice %arg10[%mul3A_357] : memref<4096xf32, #tpu.memory_space<vmem>> -> memref<8xf32, #tpu.memory_space<vmem>>
      %dma_start3A_359 = tpu.memref_slice %arg4[%multiple_of3A_348] : memref<1000000xf32, #tpu.memory_space<hbm>> -> memref<8xf32, #tpu.memory_space<hbm>>
      %dma_start3A_360 = tpu.memref_slice %arg10[%mul3A_357] : memref<4096xf32, #tpu.memory_space<vmem>> -> memref<8xf32, #tpu.memory_space<vmem>>
      %dma_start3A_361 = tpu.memref_slice %arg4[%multiple_of3A_348] : memref<1000000xf32, #tpu.memory_space<hbm>> -> memref<8xf32, #tpu.memory_space<hbm>>
      tpu.enqueue_dma source(%dma_start3A_361 : memref<8xf32, #tpu.memory_space<hbm>>) target(%dma_start3A_360 : memref<8xf32, #tpu.memory_space<vmem>>) target_semaphore(%arg14 : memref<!tpu.dma_semaphore, #tpu.memory_space<semaphore_mem>>)
      %mul3A_362 = arith.constant 8 : i32
      %mul3A_363 = arith.muli %add3A_341, %mul3A_362 : i32
      %dma_start3A_364 = tpu.memref_slice %arg11[%mul3A_363] : memref<4096xf32, #tpu.memory_space<vmem>> -> memref<8xf32, #tpu.memory_space<vmem>>
      %dma_start3A_365 = tpu.memref_slice %arg5[%multiple_of3A_355] : memref<1000000xf32, #tpu.memory_space<hbm>> -> memref<8xf32, #tpu.memory_space<hbm>>
      %dma_start3A_366 = tpu.memref_slice %arg11[%mul3A_363] : memref<4096xf32, #tpu.memory_space<vmem>> -> memref<8xf32, #tpu.memory_space<vmem>>
      %dma_start3A_367 = tpu.memref_slice %arg5[%multiple_of3A_355] : memref<1000000xf32, #tpu.memory_space<hbm>> -> memref<8xf32, #tpu.memory_space<hbm>>
      tpu.enqueue_dma source(%dma_start3A_367 : memref<8xf32, #tpu.memory_space<hbm>>) target(%dma_start3A_366 : memref<8xf32, #tpu.memory_space<vmem>>) target_semaphore(%arg14 : memref<!tpu.dma_semaphore, #tpu.memory_space<semaphore_mem>>)
      %mul3A_368 = arith.constant 16 : i32
      %mul3A_369 = arith.muli %scan3A_32, %mul3A_368 : i32
      %add3A_370 = arith.constant 11 : i32
      %add3A_371 = arith.addi %mul3A_369, %add3A_370 : i32
      %slice3A_372 = vector.extract_strided_slice %get3A_36 {offsets = [11], sizes = [1], strides = [1]} : vector<16xi32> to vector<1xi32>
      %squeeze3A_373 = vector.extract %slice3A_372[0] : i32 from vector<1xi32>
      %shift_right_arithmetic3A_374 = arith.constant 3 : i32
      %shift_right_arithmetic3A_375 = arith.shrsi %squeeze3A_373, %shift_right_arithmetic3A_374 : i32
      %shift_left3A_376 = arith.constant 3 : i32
      %shift_left3A_377 = arith.shli %shift_right_arithmetic3A_375, %shift_left3A_376 : i32
      %multiple_of3A_378 = tpu.assume_multiple %shift_left3A_377, 8 : i32
      %slice3A_379 = vector.extract_strided_slice %get3A_40 {offsets = [11], sizes = [1], strides = [1]} : vector<16xi32> to vector<1xi32>
      %squeeze3A_380 = vector.extract %slice3A_379[0] : i32 from vector<1xi32>
      %shift_right_arithmetic3A_381 = arith.constant 3 : i32
      %shift_right_arithmetic3A_382 = arith.shrsi %squeeze3A_380, %shift_right_arithmetic3A_381 : i32
      %shift_left3A_383 = arith.constant 3 : i32
      %shift_left3A_384 = arith.shli %shift_right_arithmetic3A_382, %shift_left3A_383 : i32
      %multiple_of3A_385 = tpu.assume_multiple %shift_left3A_384, 8 : i32
      %mul3A_386 = arith.constant 8 : i32
      %mul3A_387 = arith.muli %add3A_371, %mul3A_386 : i32
      %dma_start3A_388 = tpu.memref_slice %arg10[%mul3A_387] : memref<4096xf32, #tpu.memory_space<vmem>> -> memref<8xf32, #tpu.memory_space<vmem>>
      %dma_start3A_389 = tpu.memref_slice %arg4[%multiple_of3A_378] : memref<1000000xf32, #tpu.memory_space<hbm>> -> memref<8xf32, #tpu.memory_space<hbm>>
      %dma_start3A_390 = tpu.memref_slice %arg10[%mul3A_387] : memref<4096xf32, #tpu.memory_space<vmem>> -> memref<8xf32, #tpu.memory_space<vmem>>
      %dma_start3A_391 = tpu.memref_slice %arg4[%multiple_of3A_378] : memref<1000000xf32, #tpu.memory_space<hbm>> -> memref<8xf32, #tpu.memory_space<hbm>>
      tpu.enqueue_dma source(%dma_start3A_391 : memref<8xf32, #tpu.memory_space<hbm>>) target(%dma_start3A_390 : memref<8xf32, #tpu.memory_space<vmem>>) target_semaphore(%arg14 : memref<!tpu.dma_semaphore, #tpu.memory_space<semaphore_mem>>)
      %mul3A_392 = arith.constant 8 : i32
      %mul3A_393 = arith.muli %add3A_371, %mul3A_392 : i32
      %dma_start3A_394 = tpu.memref_slice %arg11[%mul3A_393] : memref<4096xf32, #tpu.memory_space<vmem>> -> memref<8xf32, #tpu.memory_space<vmem>>
      %dma_start3A_395 = tpu.memref_slice %arg5[%multiple_of3A_385] : memref<1000000xf32, #tpu.memory_space<hbm>> -> memref<8xf32, #tpu.memory_space<hbm>>
      %dma_start3A_396 = tpu.memref_slice %arg11[%mul3A_393] : memref<4096xf32, #tpu.memory_space<vmem>> -> memref<8xf32, #tpu.memory_space<vmem>>
      %dma_start3A_397 = tpu.memref_slice %arg5[%multiple_of3A_385] : memref<1000000xf32, #tpu.memory_space<hbm>> -> memref<8xf32, #tpu.memory_space<hbm>>
      tpu.enqueue_dma source(%dma_start3A_397 : memref<8xf32, #tpu.memory_space<hbm>>) target(%dma_start3A_396 : memref<8xf32, #tpu.memory_space<vmem>>) target_semaphore(%arg14 : memref<!tpu.dma_semaphore, #tpu.memory_space<semaphore_mem>>)
      %mul3A_398 = arith.constant 16 : i32
      %mul3A_399 = arith.muli %scan3A_32, %mul3A_398 : i32
      %add3A_400 = arith.constant 12 : i32
      %add3A_401 = arith.addi %mul3A_399, %add3A_400 : i32
      %slice3A_402 = vector.extract_strided_slice %get3A_36 {offsets = [12], sizes = [1], strides = [1]} : vector<16xi32> to vector<1xi32>
      %squeeze3A_403 = vector.extract %slice3A_402[0] : i32 from vector<1xi32>
      %shift_right_arithmetic3A_404 = arith.constant 3 : i32
      %shift_right_arithmetic3A_405 = arith.shrsi %squeeze3A_403, %shift_right_arithmetic3A_404 : i32
      %shift_left3A_406 = arith.constant 3 : i32
      %shift_left3A_407 = arith.shli %shift_right_arithmetic3A_405, %shift_left3A_406 : i32
      %multiple_of3A_408 = tpu.assume_multiple %shift_left3A_407, 8 : i32
      %slice3A_409 = vector.extract_strided_slice %get3A_40 {offsets = [12], sizes = [1], strides = [1]} : vector<16xi32> to vector<1xi32>
      %squeeze3A_410 = vector.extract %slice3A_409[0] : i32 from vector<1xi32>
      %shift_right_arithmetic3A_411 = arith.constant 3 : i32
      %shift_right_arithmetic3A_412 = arith.shrsi %squeeze3A_410, %shift_right_arithmetic3A_411 : i32
      %shift_left3A_413 = arith.constant 3 : i32
      %shift_left3A_414 = arith.shli %shift_right_arithmetic3A_412, %shift_left3A_413 : i32
      %multiple_of3A_415 = tpu.assume_multiple %shift_left3A_414, 8 : i32
      %mul3A_416 = arith.constant 8 : i32
      %mul3A_417 = arith.muli %add3A_401, %mul3A_416 : i32
      %dma_start3A_418 = tpu.memref_slice %arg10[%mul3A_417] : memref<4096xf32, #tpu.memory_space<vmem>> -> memref<8xf32, #tpu.memory_space<vmem>>
      %dma_start3A_419 = tpu.memref_slice %arg4[%multiple_of3A_408] : memref<1000000xf32, #tpu.memory_space<hbm>> -> memref<8xf32, #tpu.memory_space<hbm>>
      %dma_start3A_420 = tpu.memref_slice %arg10[%mul3A_417] : memref<4096xf32, #tpu.memory_space<vmem>> -> memref<8xf32, #tpu.memory_space<vmem>>
      %dma_start3A_421 = tpu.memref_slice %arg4[%multiple_of3A_408] : memref<1000000xf32, #tpu.memory_space<hbm>> -> memref<8xf32, #tpu.memory_space<hbm>>
      tpu.enqueue_dma source(%dma_start3A_421 : memref<8xf32, #tpu.memory_space<hbm>>) target(%dma_start3A_420 : memref<8xf32, #tpu.memory_space<vmem>>) target_semaphore(%arg14 : memref<!tpu.dma_semaphore, #tpu.memory_space<semaphore_mem>>)
      %mul3A_422 = arith.constant 8 : i32
      %mul3A_423 = arith.muli %add3A_401, %mul3A_422 : i32
      %dma_start3A_424 = tpu.memref_slice %arg11[%mul3A_423] : memref<4096xf32, #tpu.memory_space<vmem>> -> memref<8xf32, #tpu.memory_space<vmem>>
      %dma_start3A_425 = tpu.memref_slice %arg5[%multiple_of3A_415] : memref<1000000xf32, #tpu.memory_space<hbm>> -> memref<8xf32, #tpu.memory_space<hbm>>
      %dma_start3A_426 = tpu.memref_slice %arg11[%mul3A_423] : memref<4096xf32, #tpu.memory_space<vmem>> -> memref<8xf32, #tpu.memory_space<vmem>>
      %dma_start3A_427 = tpu.memref_slice %arg5[%multiple_of3A_415] : memref<1000000xf32, #tpu.memory_space<hbm>> -> memref<8xf32, #tpu.memory_space<hbm>>
      tpu.enqueue_dma source(%dma_start3A_427 : memref<8xf32, #tpu.memory_space<hbm>>) target(%dma_start3A_426 : memref<8xf32, #tpu.memory_space<vmem>>) target_semaphore(%arg14 : memref<!tpu.dma_semaphore, #tpu.memory_space<semaphore_mem>>)
      %mul3A_428 = arith.constant 16 : i32
      %mul3A_429 = arith.muli %scan3A_32, %mul3A_428 : i32
      %add3A_430 = arith.constant 13 : i32
      %add3A_431 = arith.addi %mul3A_429, %add3A_430 : i32
      %slice3A_432 = vector.extract_strided_slice %get3A_36 {offsets = [13], sizes = [1], strides = [1]} : vector<16xi32> to vector<1xi32>
      %squeeze3A_433 = vector.extract %slice3A_432[0] : i32 from vector<1xi32>
      %shift_right_arithmetic3A_434 = arith.constant 3 : i32
      %shift_right_arithmetic3A_435 = arith.shrsi %squeeze3A_433, %shift_right_arithmetic3A_434 : i32
      %shift_left3A_436 = arith.constant 3 : i32
      %shift_left3A_437 = arith.shli %shift_right_arithmetic3A_435, %shift_left3A_436 : i32
      %multiple_of3A_438 = tpu.assume_multiple %shift_left3A_437, 8 : i32
      %slice3A_439 = vector.extract_strided_slice %get3A_40 {offsets = [13], sizes = [1], strides = [1]} : vector<16xi32> to vector<1xi32>
      %squeeze3A_440 = vector.extract %slice3A_439[0] : i32 from vector<1xi32>
      %shift_right_arithmetic3A_441 = arith.constant 3 : i32
      %shift_right_arithmetic3A_442 = arith.shrsi %squeeze3A_440, %shift_right_arithmetic3A_441 : i32
      %shift_left3A_443 = arith.constant 3 : i32
      %shift_left3A_444 = arith.shli %shift_right_arithmetic3A_442, %shift_left3A_443 : i32
      %multiple_of3A_445 = tpu.assume_multiple %shift_left3A_444, 8 : i32
      %mul3A_446 = arith.constant 8 : i32
      %mul3A_447 = arith.muli %add3A_431, %mul3A_446 : i32
      %dma_start3A_448 = tpu.memref_slice %arg10[%mul3A_447] : memref<4096xf32, #tpu.memory_space<vmem>> -> memref<8xf32, #tpu.memory_space<vmem>>
      %dma_start3A_449 = tpu.memref_slice %arg4[%multiple_of3A_438] : memref<1000000xf32, #tpu.memory_space<hbm>> -> memref<8xf32, #tpu.memory_space<hbm>>
      %dma_start3A_450 = tpu.memref_slice %arg10[%mul3A_447] : memref<4096xf32, #tpu.memory_space<vmem>> -> memref<8xf32, #tpu.memory_space<vmem>>
      %dma_start3A_451 = tpu.memref_slice %arg4[%multiple_of3A_438] : memref<1000000xf32, #tpu.memory_space<hbm>> -> memref<8xf32, #tpu.memory_space<hbm>>
      tpu.enqueue_dma source(%dma_start3A_451 : memref<8xf32, #tpu.memory_space<hbm>>) target(%dma_start3A_450 : memref<8xf32, #tpu.memory_space<vmem>>) target_semaphore(%arg14 : memref<!tpu.dma_semaphore, #tpu.memory_space<semaphore_mem>>)
      %mul3A_452 = arith.constant 8 : i32
      %mul3A_453 = arith.muli %add3A_431, %mul3A_452 : i32
      %dma_start3A_454 = tpu.memref_slice %arg11[%mul3A_453] : memref<4096xf32, #tpu.memory_space<vmem>> -> memref<8xf32, #tpu.memory_space<vmem>>
      %dma_start3A_455 = tpu.memref_slice %arg5[%multiple_of3A_445] : memref<1000000xf32, #tpu.memory_space<hbm>> -> memref<8xf32, #tpu.memory_space<hbm>>
      %dma_start3A_456 = tpu.memref_slice %arg11[%mul3A_453] : memref<4096xf32, #tpu.memory_space<vmem>> -> memref<8xf32, #tpu.memory_space<vmem>>
      %dma_start3A_457 = tpu.memref_slice %arg5[%multiple_of3A_445] : memref<1000000xf32, #tpu.memory_space<hbm>> -> memref<8xf32, #tpu.memory_space<hbm>>
      tpu.enqueue_dma source(%dma_start3A_457 : memref<8xf32, #tpu.memory_space<hbm>>) target(%dma_start3A_456 : memref<8xf32, #tpu.memory_space<vmem>>) target_semaphore(%arg14 : memref<!tpu.dma_semaphore, #tpu.memory_space<semaphore_mem>>)
      %mul3A_458 = arith.constant 16 : i32
      %mul3A_459 = arith.muli %scan3A_32, %mul3A_458 : i32
      %add3A_460 = arith.constant 14 : i32
      %add3A_461 = arith.addi %mul3A_459, %add3A_460 : i32
      %slice3A_462 = vector.extract_strided_slice %get3A_36 {offsets = [14], sizes = [1], strides = [1]} : vector<16xi32> to vector<1xi32>
      %squeeze3A_463 = vector.extract %slice3A_462[0] : i32 from vector<1xi32>
      %shift_right_arithmetic3A_464 = arith.constant 3 : i32
      %shift_right_arithmetic3A_465 = arith.shrsi %squeeze3A_463, %shift_right_arithmetic3A_464 : i32
      %shift_left3A_466 = arith.constant 3 : i32
      %shift_left3A_467 = arith.shli %shift_right_arithmetic3A_465, %shift_left3A_466 : i32
      %multiple_of3A_468 = tpu.assume_multiple %shift_left3A_467, 8 : i32
      %slice3A_469 = vector.extract_strided_slice %get3A_40 {offsets = [14], sizes = [1], strides = [1]} : vector<16xi32> to vector<1xi32>
      %squeeze3A_470 = vector.extract %slice3A_469[0] : i32 from vector<1xi32>
      %shift_right_arithmetic3A_471 = arith.constant 3 : i32
      %shift_right_arithmetic3A_472 = arith.shrsi %squeeze3A_470, %shift_right_arithmetic3A_471 : i32
      %shift_left3A_473 = arith.constant 3 : i32
      %shift_left3A_474 = arith.shli %shift_right_arithmetic3A_472, %shift_left3A_473 : i32
      %multiple_of3A_475 = tpu.assume_multiple %shift_left3A_474, 8 : i32
      %mul3A_476 = arith.constant 8 : i32
      %mul3A_477 = arith.muli %add3A_461, %mul3A_476 : i32
      %dma_start3A_478 = tpu.memref_slice %arg10[%mul3A_477] : memref<4096xf32, #tpu.memory_space<vmem>> -> memref<8xf32, #tpu.memory_space<vmem>>
      %dma_start3A_479 = tpu.memref_slice %arg4[%multiple_of3A_468] : memref<1000000xf32, #tpu.memory_space<hbm>> -> memref<8xf32, #tpu.memory_space<hbm>>
      %dma_start3A_480 = tpu.memref_slice %arg10[%mul3A_477] : memref<4096xf32, #tpu.memory_space<vmem>> -> memref<8xf32, #tpu.memory_space<vmem>>
      %dma_start3A_481 = tpu.memref_slice %arg4[%multiple_of3A_468] : memref<1000000xf32, #tpu.memory_space<hbm>> -> memref<8xf32, #tpu.memory_space<hbm>>
      tpu.enqueue_dma source(%dma_start3A_481 : memref<8xf32, #tpu.memory_space<hbm>>) target(%dma_start3A_480 : memref<8xf32, #tpu.memory_space<vmem>>) target_semaphore(%arg14 : memref<!tpu.dma_semaphore, #tpu.memory_space<semaphore_mem>>)
      %mul3A_482 = arith.constant 8 : i32
      %mul3A_483 = arith.muli %add3A_461, %mul3A_482 : i32
      %dma_start3A_484 = tpu.memref_slice %arg11[%mul3A_483] : memref<4096xf32, #tpu.memory_space<vmem>> -> memref<8xf32, #tpu.memory_space<vmem>>
      %dma_start3A_485 = tpu.memref_slice %arg5[%multiple_of3A_475] : memref<1000000xf32, #tpu.memory_space<hbm>> -> memref<8xf32, #tpu.memory_space<hbm>>
      %dma_start3A_486 = tpu.memref_slice %arg11[%mul3A_483] : memref<4096xf32, #tpu.memory_space<vmem>> -> memref<8xf32, #tpu.memory_space<vmem>>
      %dma_start3A_487 = tpu.memref_slice %arg5[%multiple_of3A_475] : memref<1000000xf32, #tpu.memory_space<hbm>> -> memref<8xf32, #tpu.memory_space<hbm>>
      tpu.enqueue_dma source(%dma_start3A_487 : memref<8xf32, #tpu.memory_space<hbm>>) target(%dma_start3A_486 : memref<8xf32, #tpu.memory_space<vmem>>) target_semaphore(%arg14 : memref<!tpu.dma_semaphore, #tpu.memory_space<semaphore_mem>>)
      %mul3A_488 = arith.constant 16 : i32
      %mul3A_489 = arith.muli %scan3A_32, %mul3A_488 : i32
      %add3A_490 = arith.constant 15 : i32
      %add3A_491 = arith.addi %mul3A_489, %add3A_490 : i32
      %slice3A_492 = vector.extract_strided_slice %get3A_36 {offsets = [15], sizes = [1], strides = [1]} : vector<16xi32> to vector<1xi32>
      %squeeze3A_493 = vector.extract %slice3A_492[0] : i32 from vector<1xi32>
      %shift_right_arithmetic3A_494 = arith.constant 3 : i32
      %shift_right_arithmetic3A_495 = arith.shrsi %squeeze3A_493, %shift_right_arithmetic3A_494 : i32
      %shift_left3A_496 = arith.constant 3 : i32
      %shift_left3A_497 = arith.shli %shift_right_arithmetic3A_495, %shift_left3A_496 : i32
      %multiple_of3A_498 = tpu.assume_multiple %shift_left3A_497, 8 : i32
      %slice3A_499 = vector.extract_strided_slice %get3A_40 {offsets = [15], sizes = [1], strides = [1]} : vector<16xi32> to vector<1xi32>
      %squeeze3A_500 = vector.extract %slice3A_499[0] : i32 from vector<1xi32>
      %shift_right_arithmetic3A_501 = arith.constant 3 : i32
      %shift_right_arithmetic3A_502 = arith.shrsi %squeeze3A_500, %shift_right_arithmetic3A_501 : i32
      %shift_left3A_503 = arith.constant 3 : i32
      %shift_left3A_504 = arith.shli %shift_right_arithmetic3A_502, %shift_left3A_503 : i32
      %multiple_of3A_505 = tpu.assume_multiple %shift_left3A_504, 8 : i32
      %mul3A_506 = arith.constant 8 : i32
      %mul3A_507 = arith.muli %add3A_491, %mul3A_506 : i32
      %dma_start3A_508 = tpu.memref_slice %arg10[%mul3A_507] : memref<4096xf32, #tpu.memory_space<vmem>> -> memref<8xf32, #tpu.memory_space<vmem>>
      %dma_start3A_509 = tpu.memref_slice %arg4[%multiple_of3A_498] : memref<1000000xf32, #tpu.memory_space<hbm>> -> memref<8xf32, #tpu.memory_space<hbm>>
      %dma_start3A_510 = tpu.memref_slice %arg10[%mul3A_507] : memref<4096xf32, #tpu.memory_space<vmem>> -> memref<8xf32, #tpu.memory_space<vmem>>
      %dma_start3A_511 = tpu.memref_slice %arg4[%multiple_of3A_498] : memref<1000000xf32, #tpu.memory_space<hbm>> -> memref<8xf32, #tpu.memory_space<hbm>>
      tpu.enqueue_dma source(%dma_start3A_511 : memref<8xf32, #tpu.memory_space<hbm>>) target(%dma_start3A_510 : memref<8xf32, #tpu.memory_space<vmem>>) target_semaphore(%arg14 : memref<!tpu.dma_semaphore, #tpu.memory_space<semaphore_mem>>)
      %mul3A_512 = arith.constant 8 : i32
      %mul3A_513 = arith.muli %add3A_491, %mul3A_512 : i32
      %dma_start3A_514 = tpu.memref_slice %arg11[%mul3A_513] : memref<4096xf32, #tpu.memory_space<vmem>> -> memref<8xf32, #tpu.memory_space<vmem>>
      %dma_start3A_515 = tpu.memref_slice %arg5[%multiple_of3A_505] : memref<1000000xf32, #tpu.memory_space<hbm>> -> memref<8xf32, #tpu.memory_space<hbm>>
      %dma_start3A_516 = tpu.memref_slice %arg11[%mul3A_513] : memref<4096xf32, #tpu.memory_space<vmem>> -> memref<8xf32, #tpu.memory_space<vmem>>
      %dma_start3A_517 = tpu.memref_slice %arg5[%multiple_of3A_505] : memref<1000000xf32, #tpu.memory_space<hbm>> -> memref<8xf32, #tpu.memory_space<hbm>>
      tpu.enqueue_dma source(%dma_start3A_517 : memref<8xf32, #tpu.memory_space<hbm>>) target(%dma_start3A_516 : memref<8xf32, #tpu.memory_space<vmem>>) target_semaphore(%arg14 : memref<!tpu.dma_semaphore, #tpu.memory_space<semaphore_mem>>)
    }
    %scan3A_13 = arith.constant 32 : i32
    %dma_wait3A_14 = arith.constant 0 : i32
    %dma_wait3A_15 = tpu.memref_slice %arg4[%dma_wait3A_14] : memref<1000000xf32, #tpu.memory_space<hbm>> -> memref<4096xf32, #tpu.memory_space<hbm>>
    %dma_wait3A_16 = arith.constant 0 : i32
    %dma_wait3A_17 = tpu.memref_slice %arg4[%dma_wait3A_16] : memref<1000000xf32, #tpu.memory_space<hbm>> -> memref<4096xf32, #tpu.memory_space<hbm>>
    tpu.wait_dma2 semaphore(%arg14 : memref<!tpu.dma_semaphore, #tpu.memory_space<semaphore_mem>>) src(%dma_wait3A_17 : memref<4096xf32, #tpu.memory_space<hbm>>) dst(%arg10 : memref<4096xf32, #tpu.memory_space<vmem>>)
    %dma_wait3A_18 = arith.constant 0 : i32
    %dma_wait3A_19 = tpu.memref_slice %arg5[%dma_wait3A_18] : memref<1000000xf32, #tpu.memory_space<hbm>> -> memref<4096xf32, #tpu.memory_space<hbm>>
    %dma_wait3A_20 = arith.constant 0 : i32
    %dma_wait3A_21 = tpu.memref_slice %arg5[%dma_wait3A_20] : memref<1000000xf32, #tpu.memory_space<hbm>> -> memref<4096xf32, #tpu.memory_space<hbm>>
    tpu.wait_dma2 semaphore(%arg14 : memref<!tpu.dma_semaphore, #tpu.memory_space<semaphore_mem>>) src(%dma_wait3A_21 : memref<4096xf32, #tpu.memory_space<hbm>>) dst(%arg11 : memref<4096xf32, #tpu.memory_space<vmem>>)
    %get3A = arith.constant 0 : index
    %get3A_22 = tpu.vector_load %arg12[%get3A] {strides = array<i32>} : memref<16xf32, #tpu.memory_space<vmem>>, vector<16xf32>,
    %slice3A = vector.extract_strided_slice %get3A_22 {offsets = [0], sizes = [1], strides = [1]} : vector<16xf32> to vector<1xf32>
    %squeeze3A = vector.extract %slice3A[0] : f32 from vector<1xf32>
    %iota3A = tpu.iota {dimensions = array<i32: 0>} : vector<16xi32>
    %mul3A_23 = arith.constant 8 : i32
    %mul3A_24 = vector.broadcast %mul3A_23 : i32 to vector<16xi32>
    %mul3A_25 = arith.muli %iota3A, %mul3A_24 : vector<16xi32>
    %scan3A_26 = arith.constant 0 : i32
    %scan3A_27 = arith.constant 0 : i32
    %scan3A_28 = arith.constant 32 : i32
    %scan3A_29 = arith.addi %scan3A_27, %scan3A_28 : i32
    %scan3A_30 = arith.constant 1 : i32
    scf.for %scan3A_32 = %scan3A_27 to %scan3A_29 step %scan3A_30  : i32 {
      %mul3A_33 = arith.constant 16 : i32
      %mul3A_34 = arith.muli %scan3A_32, %mul3A_33 : i32
      %get3A_35 = arith.index_cast %mul3A_34 : i32 to index
      %get3A_36 = tpu.vector_load %arg8[%get3A_35] {strides = array<i32>} : memref<512xi32, #tpu.memory_space<vmem>>, vector<16xi32>,
      %and3A = arith.constant 7 : i32
      %and3A_37 = vector.broadcast %and3A : i32 to vector<16xi32>
      %and3A_38 = arith.andi %get3A_36, %and3A_37 : vector<16xi32>
      %mul3A_39 = arith.constant 16 : i32
      %mul3A_40 = arith.muli %scan3A_32, %mul3A_39 : i32
      %get3A_41 = arith.index_cast %mul3A_40 : i32 to index
      %get3A_42 = tpu.vector_load %arg9[%get3A_41] {strides = array<i32>} : memref<512xi32, #tpu.memory_space<vmem>>, vector<16xi32>,
      %and3A_43 = arith.constant 7 : i32
      %and3A_44 = vector.broadcast %and3A_43 : i32 to vector<16xi32>
      %and3A_45 = arith.andi %get3A_42, %and3A_44 : vector<16xi32>
      %mul3A_46 = arith.constant 128 : i32
      %mul3A_47 = arith.muli %scan3A_32, %mul3A_46 : i32
      %add3A_48 = vector.broadcast %mul3A_47 : i32 to vector<16xi32>
      %add3A_49 = arith.addi %add3A_48, %mul3A_25 : vector<16xi32>
      %add3A_50 = arith.addi %add3A_49, %and3A_38 : vector<16xi32>
      %gather3A = tpu.vector_load_idx %arg10[%add3A_50] : memref<4096xf32, #tpu.memory_space<vmem>>[vector<16xi32>], vector<16xf32>,
      %add3A_51 = arith.addi %add3A_49, %and3A_45 : vector<16xi32>
      %gather3A_52 = tpu.vector_load_idx %arg11[%add3A_51] : memref<4096xf32, #tpu.memory_space<vmem>>[vector<16xi32>], vector<16xf32>,
      %add3A_53 = arith.addf %gather3A, %gather3A_52 : vector<16xf32>
      %add3A_54 = vector.broadcast %squeeze3A : f32 to vector<16xf32>
      %add3A_55 = arith.addf %add3A_53, %add3A_54 : vector<16xf32>
      %neg3A = arith.constant 0.000000e+00 : f32
      %neg3A_56 = vector.broadcast %neg3A : f32 to vector<16xf32>
      %neg3A_57 = arith.subf %neg3A_56, %add3A_55 : vector<16xf32>
      %exp3A = math.exp %neg3A_57 : vector<16xf32>
      %add3A_58 = arith.constant 1.000000e+00 : f32
      %add3A_59 = vector.broadcast %add3A_58 : f32 to vector<16xf32>
      %add3A_60 = arith.addf %add3A_59, %exp3A : vector<16xf32>
      %div3A = arith.constant 1.000000e+00 : f32
      %div3A_61 = vector.broadcast %div3A : f32 to vector<16xf32>
      %div3A_62 = arith.divf %div3A_61, %add3A_60 : vector<16xf32>
      %mul3A_63 = arith.constant 16 : i32
      %mul3A_64 = arith.muli %scan3A_32, %mul3A_63 : i32
      %swap3A = arith.index_cast %mul3A_64 : i32 to index
      %swap3A_65 = tpu.vector_load %arg13[%swap3A] {strides = array<i32>} : memref<512xf32, #tpu.memory_space<vmem>>, vector<16xf32>,
      tpu.vector_store %arg13[%swap3A], %div3A_62 {strides = array<i32>} : memref<512xf32, #tpu.memory_space<vmem>>, vector<16xf32>,
    }
    %scan3A_31 = arith.constant 32 : i32
    "tpu.region"() ({
      %run_scoped3A = tpu.sem_alloc : memref<!tpu.dma_semaphore, #tpu.memory_space<semaphore_mem>>
      %dma_start3A_32 = tpu.memref_slice %arg7[%mul3A_2] : memref<16384xf32, #tpu.memory_space<hbm>> -> memref<512xf32, #tpu.memory_space<hbm>>
      %dma_start3A_33 = tpu.memref_slice %arg7[%mul3A_2] : memref<16384xf32, #tpu.memory_space<hbm>> -> memref<512xf32, #tpu.memory_space<hbm>>
      tpu.enqueue_dma source(%arg13 : memref<512xf32, #tpu.memory_space<vmem>>) target(%dma_start3A_33 : memref<512xf32, #tpu.memory_space<hbm>>) target_semaphore(%run_scoped3A : memref<!tpu.dma_semaphore, #tpu.memory_space<semaphore_mem>>)
      %dma_wait3A_34 = tpu.memref_slice %arg7[%mul3A_2] : memref<16384xf32, #tpu.memory_space<hbm>> -> memref<512xf32, #tpu.memory_space<hbm>>
      %dma_wait3A_35 = tpu.memref_slice %arg7[%mul3A_2] : memref<16384xf32, #tpu.memory_space<hbm>> -> memref<512xf32, #tpu.memory_space<hbm>>
      tpu.wait_dma2 semaphore(%run_scoped3A : memref<!tpu.dma_semaphore, #tpu.memory_space<semaphore_mem>>) src(%arg13 : memref<512xf32, #tpu.memory_space<vmem>>) dst(%dma_wait3A_35 : memref<512xf32, #tpu.memory_space<hbm>>)
      tpu.yield
    }) : () -> ()
    return
  }
}

module attributes {stable_mosaic.version = 14 : i64} {
  func.func @_matvec_body(%arg0: i32, %arg1: memref<1x64xf32, #tpu.memory_space<vmem>>, %arg2: memref<32x32768xf32, #tpu.memory_space<vmem>>, %arg3: memref<32x32768xf32, #tpu.memory_space<vmem>>, %arg4: memref<32768xf32, #tpu.memory_space<vmem>>, %arg5: memref<32768xf32, #tpu.memory_space<vmem>>) attributes {dimension_semantics = [#tpu.dimension_semantics<arbitrary>], iteration_bounds = array<i64: 31>, scalar_prefetch = 0 : i64, scratch_operands = 0 : i64, tpu.core_type = #tpu.core_type<tc>, window_params = [{pipeline_mode = #tpu.pipeline_mode<synchronous>, transform_indices = @transform_0, window_bounds = array<i64: 1, 64>}, {transform_indices = @transform_1, window_bounds = array<i64: 32, 32768>}, {transform_indices = @transform_2, window_bounds = array<i64: 32, 32768>}, {transform_indices = @transform_3, window_bounds = array<i64: 32768>}, {transform_indices = @transform_4, window_bounds = array<i64: 32768>}]} {
    %get3A = arith.constant 0 : index
    %get3A_0 = arith.constant 0 : index
    %get3A_1 = vector.load %arg1[%get3A, %get3A_0] : memref<1x64xf32, #tpu.memory_space<vmem>>, vector<1x32xf32>
    %get3A_2 = arith.constant 0 : index
    %get3A_3 = arith.constant 32 : index
    %get3A_4 = vector.load %arg1[%get3A_2, %get3A_3] : memref<1x64xf32, #tpu.memory_space<vmem>>, vector<1x32xf32>
    %get3A_5 = arith.constant 0 : index
    %get3A_6 = arith.constant 0 : index
    %get3A_7 = vector.load %arg2[%get3A_5, %get3A_6] : memref<32x32768xf32, #tpu.memory_space<vmem>>, vector<32x32768xf32>
    %dot_general3A = arith.constant dense<0.000000e+00> : vector<1x32768xf32>
    %dot_general3A_8 = tpu.matmul %get3A_1, %get3A_7, %dot_general3A {dimension_numbers = #tpu.dot_dimension_numbers<[1], [0], [0], [1], [0, 0, 1, 1], [], []>, transpose_lhs_hint = false} : vector<1x32xf32>, vector<32x32768xf32>, vector<1x32768xf32> -> vector<1x32768xf32>
    %get3A_9 = arith.constant 0 : index
    %get3A_10 = arith.constant 0 : index
    %get3A_11 = vector.load %arg3[%get3A_9, %get3A_10] : memref<32x32768xf32, #tpu.memory_space<vmem>>, vector<32x32768xf32>
    %dot_general3A_12 = arith.constant dense<0.000000e+00> : vector<1x32768xf32>
    %dot_general3A_13 = tpu.matmul %get3A_4, %get3A_11, %dot_general3A_12 {dimension_numbers = #tpu.dot_dimension_numbers<[1], [0], [0], [1], [0, 0, 1, 1], [], []>, transpose_lhs_hint = false} : vector<1x32xf32>, vector<32x32768xf32>, vector<1x32768xf32> -> vector<1x32768xf32>
    %squeeze3A = vector.shape_cast %dot_general3A_8 : vector<1x32768xf32> to vector<32768xf32>
    %swap3A = arith.constant 0 : index
    %swap3A_14 = vector.load %arg4[%swap3A] : memref<32768xf32, #tpu.memory_space<vmem>>, vector<32768xf32>
    tpu.vector_store %arg4[%swap3A], %squeeze3A {strides = array<i32>} : memref<32768xf32, #tpu.memory_space<vmem>>, vector<32768xf32>,
    %squeeze3A_15 = vector.shape_cast %dot_general3A_13 : vector<1x32768xf32> to vector<32768xf32>
    %swap3A_16 = arith.constant 0 : index
    %swap3A_17 = vector.load %arg5[%swap3A_16] : memref<32768xf32, #tpu.memory_space<vmem>>, vector<32768xf32>
    tpu.vector_store %arg5[%swap3A_16], %squeeze3A_15 {strides = array<i32>} : memref<32768xf32, #tpu.memory_space<vmem>>, vector<32768xf32>,
    return
  }
  func.func @transform_0(%arg0: i32) -> (i32, i32) {
    %c0_i32 = arith.constant 0 : i32
    %c0_i32_0 = arith.constant 0 : i32
    %c0_i32_1 = arith.constant 0 : i32
    return %c0_i32, %c0_i32_0 : i32, i32
  }
  func.func @transform_1(%arg0: i32) -> (i32, i32) {
    %c0_i32 = arith.constant 0 : i32
    %c0_i32_0 = arith.constant 0 : i32
    return %c0_i32, %arg0 : i32, i32
  }
  func.func @transform_2(%arg0: i32) -> (i32, i32) {
    %c0_i32 = arith.constant 0 : i32
    %c0_i32_0 = arith.constant 0 : i32
    return %c0_i32, %arg0 : i32, i32
  }
  func.func @transform_3(%arg0: i32) -> i32 {
    %c0_i32 = arith.constant 0 : i32
    return %arg0 : i32
  }
  func.func @transform_4(%arg0: i32) -> i32 {
    %c0_i32 = arith.constant 0 : i32
    return %arg0 : i32
  }
}

</mosaic_0001>

<sc_bundles>
// kernel: kernel.4.cloned.1.call-start
scs
__scs_entry_jumppad:
0x0: {  	(pc) =	sbr.rel $0x88, $3  }
0x1: {  	(tag) =	ssettag $0x0;
	lr =	simm.s32 $0x1  }
0x2: {  	[smem:$0x3F9C] =	sst lr;
	_ =	strace $0xD0000000  }
0x3: {  	_ = 	snop  }
0x4: {  	_ = 	snop  }
0x5: {  	_ = 	snop  }
0x6: {  	_ = 	snop  }
0x7: {  	_ = 	snop  }
__scs_overlays_trampoline_lowered:
0x8: {  	[smem:$0x3FAB] =	sst s0  }
0x9: {  	[smem:$0x3FAC] =	sst s1  }
0xa: {  	[smem:$0x3FAD] =	sst s2  }
0xb: {  	[smem:$0x3FAE] =	sst s3  }
0xc: {  	[smem:$0x3FAF] =	sst s4  }
0xd: {  	[smem:$0x3FB0] =	sst s5  }
0xe: {  	[smem:$0x3FB1] =	sst s6  }
0xf: {  	[smem:$0x3FB2] =	sst s7  }
0x10: {  	[smem:$0x3FB3] =	sst s8  }
0x11: {  	[smem:$0x3FB4] =	sst s9;
	s0 =	simm.s32 @!p0 $0x0  }
0x12: {  	s1 =	sld [smem:$0x3F9A];
	s0 =	simm.s32 @p0 $0x1  }
0x13: {  	[smem:$0x3FB5] =	sst s0;
	s0 =	simm.s32 @!p1 $0x0  }
0x14: {  	s2 =	sld [smem:$0x3F99];
	s0 =	simm.s32 @p1 $0x1  }
0x15: {  	[smem:$0x3FB6] =	sst s0;
	s0 =	simm.s32 @!p2 $0x0  }
0x16: {  	s3 =	sld [smem:$0x3FDB];
	s0 =	simm.s32 @p2 $0x1  }
0x17: {  	s4 =	simm.s32 $0x1BF5;
	[smem:$0x3FB8] =	sst s0  }
0x18: {  	s0 =	sld [smem:$0x3F9B];
	_ =	swait.ge [sflag:s4], $0x0  }
0x19: {  	s7 =	sld [smem:$0x3F9C]  }
0x1a: {  	s8 =	sadd.s32 $0xFFFFE003, lr  }
0x1b: {  	s9 =	sadd.s32 $0xFFFFFEF7, lr;
	s5 =	simm.s32 $0xFFFFFFFF;
	p2 =	slt.u32 s8, $0xFFFFF086  }
0x1c: {  	p1 =	slt.u32 s9, $0xF7A;
	s5 =	simm.s32 @!p2 $0x0  }
0x1d: {  	s5 =	simm.s32 @p1 $0x1;
	p0 =	seq.s32 s7, s2  }
0x1e: {  	s7 =	smul.u32 @!p0 $0xF7A, s2;
	p2 =	seq.s32 @!p0 s5, $0x0  }
0x1f: {  	s9 =	smul.u32 $0xF7A, s1;
	s8 =	simm.s32 @!p0 $0x1BF5;
	p2 =	por !p2, p0  }
0x20: {  	[sflag:s8] =	ssyncset.s32 @!p0 $0xFFFFF086;
	s6 =	sadd.s32 @!p0 s3, s7;
	s7 =	simm.s32 @!p0 $0x108  }
0x21: {  	s3 =	sadd.s32 s3, s9;
	s6 =	sadd.s32 @!p0 $0x88, s6;
	s7 =	simm.s32 @p2 $0x1082  }
0x22: {  	[simem:s7], [sflag:s8] =	dma.local @!p0 [hbm:s6], $0xF7A  }
0x23: {  	s9 =	sor.u32 $0xD0000000, s2;
	s6 =	simm.s32 $0x108;
	_ =	swait.ge @!p0 [sflag:s8], $0x0  }
0x24: {  	s3 =	sadd.s32 $0x88, s3;
	s6 =	simm.s32 @!p1 $0x1082;
	[sflag:s4] =	ssyncset.s32 $0xFFFFF086  }
0x25: {  	[simem:s6], [sflag:s4] =	dma.local [hbm:s3], $0xF7A  }
0x26: {  	[smem:$0x3F9C] =	sst s1;
	(tag) =	ssettag s2;
	_ =	strace s9  }
0x27: {  	s1 =	sld [smem:$0x3FAC]  }
0x28: {  	s2 =	sld [smem:$0x3FAD]  }
0x29: {  	s4 =	sld [smem:$0x3FAF]  }
0x2a: {  	p0 =	seq.s32 s5, $0x0;
	s5 =	sld [smem:$0x3FB0]  }
0x2b: {  	s6 =	sld [smem:$0x3FB1]  }
0x2c: {  	s7 =	sld [smem:$0x3FB2]  }
0x2d: {  	s3 =	simm.s32 $0x108;
	s8 =	sld [smem:$0x3FB3]  }
0x2e: {  	s3 =	simm.s32 @!p0 $0x1082;
	s9 =	sld [smem:$0x3FB4]  }
0x2f: {  	lr =	sadd.s32 s0, s3;
	s0 =	sld [smem:$0x3FAB]  }
0x30: {  	s3 =	sld [smem:$0x3FAE]  }
0x31: {  	[smem:$0x3FB7] =	sst s10  }
0x32: {  	s10 =	sld [smem:$0x3FB5];
	_ =	sdelay $0x3  }
0x33: {  	p0 =	seq.s32 s10, $0x1;
	s10 =	sld [smem:$0x3FB7];
	_ =	sdelay $0x3  }
0x34: {  	[smem:$0x3FB7] =	sst s10  }
0x35: {  	s10 =	sld [smem:$0x3FB6];
	_ =	sdelay $0x3  }
0x36: {  	p1 =	seq.s32 s10, $0x1;
	s10 =	sld [smem:$0x3FB7];
	_ =	sdelay $0x3  }
0x37: {  	[smem:$0x3FB7] =	sst s10  }
0x38: {  	s10 =	sld [smem:$0x3FB8]  }
0x39: {  	_ = 	snop;
	(pc) =	sbr.ind lr, $3  }
0x3a: {  	_ = 	snop  }
0x3b: {  	_ = 	snop  }
0x3c: {  	p2 =	seq.s32 s10, $0x1;
	s10 =	sld [smem:$0x3FB7]  }
0x3d: {  	_ =	shalt  }
0x3e: {  	_ =	shalt  }
0x3f: {  	_ =	shalt  }
0x40: {  	_ =	shalt  }
0x41: {  	_ =	shalt  }
0x42: {  	_ =	shalt  }
0x43: {  	_ =	shalt  }
0x44: {  	_ =	shalt  }
0x45: {  	_ =	shalt  }
0x46: {  	_ =	shalt  }
0x47: {  	_ =	shalt  }
0x48: {  	_ =	shalt  }
0x49: {  	_ =	shalt  }
0x4a: {  	_ =	shalt  }
0x4b: {  	_ =	shalt  }
0x4c: {  	_ =	shalt  }
0x4d: {  	_ =	shalt  }
0x4e: {  	_ =	shalt  }
0x4f: {  	_ =	shalt  }
0x50: {  	_ =	shalt  }
0x51: {  	_ =	shalt  }
0x52: {  	_ =	shalt  }
0x53: {  	_ =	shalt  }
0x54: {  	_ =	shalt  }
0x55: {  	_ =	shalt  }
0x56: {  	_ =	shalt  }
0x57: {  	_ =	shalt  }
0x58: {  	_ =	shalt  }
0x59: {  	_ =	shalt  }
0x5a: {  	_ =	shalt  }
0x5b: {  	_ =	shalt  }
0x5c: {  	_ =	shalt  }
0x5d: {  	_ =	shalt  }
0x5e: {  	_ =	shalt  }
0x5f: {  	_ =	shalt  }
0x60: {  	_ =	shalt  }
0x61: {  	_ =	shalt  }
0x62: {  	_ =	shalt  }
0x63: {  	_ =	shalt  }
0x64: {  	_ =	shalt  }
0x65: {  	_ =	shalt  }
0x66: {  	_ =	shalt  }
0x67: {  	_ =	shalt  }
0x68: {  	_ =	shalt  }
0x69: {  	_ =	shalt  }
0x6a: {  	_ =	shalt  }
0x6b: {  	_ =	shalt  }
0x6c: {  	_ =	shalt  }
0x6d: {  	_ =	shalt  }
0x6e: {  	_ =	shalt  }
0x6f: {  	_ =	shalt  }
0x70: {  	_ =	shalt  }
0x71: {  	_ =	shalt  }
0x72: {  	_ =	shalt  }
0x73: {  	_ =	shalt  }
0x74: {  	_ =	shalt  }
0x75: {  	_ =	shalt  }
0x76: {  	_ =	shalt  }
0x77: {  	_ =	shalt  }
0x78: {  	_ =	shalt  }
0x79: {  	_ =	shalt  }
0x7a: {  	_ =	shalt  }
0x7b: {  	_ =	shalt  }
0x7c: {  	_ =	shalt  }
0x7d: {  	_ =	shalt  }
0x7e: {  	_ =	shalt  }
0x7f: {  	_ =	shalt  }
0x80: {  	_ =	shalt  }
0x81: {  	_ =	shalt  }
0x82: {  	_ =	shalt  }
0x83: {  	_ =	shalt  }
0x84: {  	_ =	shalt  }
0x85: {  	_ =	shalt  }
0x86: {  	_ =	shalt  }
0x87: {  	_ =	shalt  }
.Lfunc_end0:
.L_simem_size_0:
called_computation_lowered:
.L_overlay_start_0:
0x88: {  	s2 =	sld [smem:$0x3FD9]  }
0x89: {  	s3 =	sld [smem:$0x3FFE];
	_ =	sdelay $0x1  }
0x8a: {  	s1 =	srdreg.scid  }
0x8b: {  	s0 =	sand.u32 $0x1, s1  }
0x8c: {  	s17 =	sshll.u32 s0, $0xA;
	s2 =	sadd.s32 s3, s2  }
0x8d: {  	s2 =	sadd.s32 s2, s17  }
0x8e: {  	[smem:$0x3FC3] =	sst s2  }
0x8f: {  	_ = 	snop  }
0x90: {  	s2 =	sld [smem:$0x3FD0];
	(tm) =	ssettm $0x1  }
0x91: {  	s18 =	sld [smem:$0x3FFB];
	_ =	sdelay $0x3  }
0x92: {  	_ =	strace s18  }
0x93: {  	s3 =	sld [smem:$0x3FFC];
	_ =	sdelay $0x3  }
0x94: {  	_ =	strace s3  }
0x95: {  	s3 =	sld [smem:$0x3FFD];
	_ =	sdelay $0x3  }
0x96: {  	_ =	strace s3  }
0x97: {  	_ =	strace $0x8FFFFFFF  }
0x98: {  	s19 =	sld [smem:$0x3FDB];
	_ =	sdelay $0x1  }
0x99: {  	s4 =	simm.s32 $_scs_section_size  }
0x9a: {  	s5 =	simm.s32 $_size__tile_overlayer_lowered;
	s6 =	simm.s32 $_tile_overlayer_lowered  }
0x9b: {  	s22 =	simm.s32 $0x1BFF;
	s21 =	sshll.u32 s6, $0x1;
	s3 =	sadd.s32 s4, s19  }
0x9c: {  	s7 =	simm.s32 $0x0;
	s20 =	sshll.u32 s5, $0x1;
	s5 =	sadd.s32 s21, s3  }
0x9d: {  	[timem:s7], [sflag:s22] =	dma.local [hbm:s5], s20  }
0x9e: {  	_ =	swait.ge [sflag:s22], s20  }
0x9f: {  	s4 =	ssub.s32 $0x0, s20;
	[sflag:s22] =	ssyncset.done $0x0  }
0xa0: {  	[sflag:s22] =	ssyncadd.s32 s4;
	_ =	sdelay $0x1  }
0xa1: {  	s23 =	simm.s32 $0x1B8B  }
0xa2: {  	_ =	swait.ge [sflag:s23], $0x1  }
0xa3: {  	[sflag:s23] =	ssyncset.done $0x0  }
0xa4: {  	s25 =	simm.s32 $0x1B8E;
	s24 =	sld [smem:$0x3FFE];
	[sflag:s23] =	ssyncadd.s32 $0xFFFFFFFF  }
0xa5: {  	s26 =	simm.s32 $execute0_lowered;
	[smem:$0x3FD2] =	sst s25  }
0xa6: {  	s5 =	sshll.u32 s26, $0x1;
	_ =	strace $0x80000046;
	[dreg:$0x1] =	wrdreg $0xFFFFFFFF  }
0xa7: {  	s28 =	simm.s32 $_size_execute0_lowered;
	s3 =	sadd.s32 s3, s5;
	[dreg:$0x0] =	wrdreg $0x0  }
0xa8: {  	s5 =	sshll.u32 s28, $0x1;
	[dreg:$0x2] =	wrdreg s3  }
0xa9: {  	[dreg:$0x3] =	wrdreg s5  }
0xaa: {  	[dreg:$0x4] =	wrdreg $0xC0  }
0xab: {  	_ =	task [dreg:s7], $0x5FFFF  }
0xac: {  	[dreg:$0x1] =	wrdreg $0xFFFFFFFF  }
0xad: {  	[dreg:$0x0] =	wrdreg $0x60  }
0xae: {  	[dreg:$0x2] =	wrdreg s24  }
0xaf: {  	[dreg:$0x3] =	wrdreg s2  }
0xb0: {  	[dreg:$0x4] =	wrdreg $0x9  }
0xb1: {  	_ =	task.clear_ibuf [dreg:s7], $0x5FFFF;
	_ =	strace $0x90000046  }
0xb2: {  	s29 =	simm.s32 $0x9;
	_ =	strace $0x80000048  }
0xb3: {  	_ =	swait.ge [sflag:s29], $0x1  }
0xb4: {  	[sflag:s29] =	ssyncadd.s32 $0xFFFFFFFF  }
0xb5: {  	_ =	strace $0x90000048  }
0xb6: {  	_ =	sfence  }
0xb7: {  	s30 =	sld [smem:$0x0];
	_ =	sdelay $0x2  }
0xb8: {  	s31 =	sshll.u32 s1, $0xD;
	s1 =	sshrl.u32 s1, $0x2  }
0xb9: {  	s3 =	sand.u32 $0x4000, s31;
	s1 =	sadd.s32 s1, s30  }
0xba: {  	s0 =	sor.u32 s3, s0;
	s1 =	sshll.u32 s1, $0x11  }
0xbb: {  	s0 =	sor.u32 s1, s0  }
0xbc: {  	s0 =	sadd.s32 $0x8F2B, s0  }
0xbd: {  	[sflag:s0] =	ssyncadd.remote.s32 $0x1  }
0xbe: {  	_ =	sfence.sel $0xFFFF  }
0xbf: {  	[dreg:$0x0] =	wrdreg $0xFFFFFFFF;
	(pc) =	sbr.abs _section_cstart, $3  }
0xc0: {  	[dreg:$0x1] =	wrdreg $0xFFFFFFFF  }
0xc1: {  	_ =	task.clear_ibuf [dreg:s7], $0x2FFFF;
	_ =	strace $0x9FFFFFFF  }
0xc2: {  	(tm) =	ssettm $0x7FFFFFFF  }
0xc3: {  	_ =	shalt  }
tec
execute0_lowered:
.L_overlay_start_1:
0x0: {  	(tag) =	ssettag $0x1  }
0x1: {  	s3 =	rddreg [dreg:$0x0]  }
0x2: {  	s6 =	rddreg [dreg:$0x1];
	s2 =	srdreg.scid  }
0x3: {  	s0 =	rddreg [dreg:$0x2];
	s1 =	stileid.u32  }
0x4: {  	s9 =	simm.s32 $0x1;
	s10 =	simm.s32 $0x400;
	s11 =	simm.s32 $0x1400  }
0x5: {  	s12 =	simm.s32 $0x2480;
	s13 =	simm.s32 $0x2;
	s14 =	simm.s32 $0x0  }
0x6: {  	s4 =	sand.u32 $0x1, s2;
	s2 =	simm.s32 $0x0;
	s5 =	sshll.u32 s1, $0x7  }
0x7: {  	s8 =	sadd.s32 $0x2000, s3;
	s30 =	sadd.s32 $0x20A00, s3;
	[smem:$0x7FF] =	sst s2  }
0x8: {  	s7 =	sshll.u32 s4, $0x6;
	_ =	strace $0x80000047;
	[dreg:$0x3] =	wrdreg s8  }
0x9: {  	s4 =	ssub.s32 $0x2, s4;
	s7 =	sor.u32 s7, s5;
	[dreg:$0x4] =	wrdreg s30  }
0xa: {  	s31 =	sshrl.u32 s4, $0x1;
	s5 =	sadd.s32 s7, s3;
	s3 =	sadd.s32 $0x1E00, s3  }
0xb: {  	v0 =	vlaneseq.u32;
	s8 =	ssub.s32 s4, s31;
	s6 =	sadd.s32 s6, s7;
	s4 =	sadd.s32 $0x1600, s5  }
0xc: {  	v0 =	vmul.u32 $0x8, v0;
	s5 =	sadd.s32 $0xE00, s5;
	s7 =	smax.u32 s8, $0x1;
	s8 =	simm.s32 $0x2400  }
.LBB2_1:
0xd: {  	[tilespmem:s2], [sflag:$0x1] =	stream.linear.gather [hbm4b:s4+s2], $0x200, $0x38;
	[tilespmem:$0x2680] =	vst v63  }
0xe: {  	s15 =	simm.s32 $0x200  }
0xf: {  	[tilespmem:s15], [sflag:$0x1] =	stream.linear.gather [hbm4b:s5+s2], $0x200, $0x38;
	[tilespmem:$0x2680] =	vst v63  }
0x10: {  	_ = 	snop  }
0x11: {  	[tilespmem:s8], [sflag:$0x1] =	stream.linear.gather [hbm4b:s3+s2], $0x80, $0x38;
	[tilespmem:$0x2680] =	vst v63  }
0x12: {  	_ =	swait.ge [sflag:s9], $0x200  }
0x13: {  	[sflag:s9] =	ssyncset.done $0x0  }
0x14: {  	[sflag:s9] =	ssyncadd.s32 $0xFFFFFE00  }
0x15: {  	_ =	swait.ge [sflag:s9], $0x200  }
0x16: {  	[sflag:s9] =	ssyncset.done $0x0  }
0x17: {  	[sflag:s9] =	ssyncadd.s32 $0xFFFFFE00  }
0x18: {  	_ =	swait.ge [sflag:s9], $0x80  }
0x19: {  	[sflag:s9] =	ssyncset.done $0x0  }
0x1a: {  	[sflag:s9] =	ssyncadd.s32 $0xFFFFFF80  }
0x1b: {  	v1 =	vld [tilespmem:s2+$0x0];
	_ =	sdelay $0x1  }
0x1c: {  	v2 =	vld [tilespmem:s15+$0x0];
	_ =	sdelay $0x2  }
0x1d: {  	s24 =	rddreg [dreg:$0x3];
	v1 =	vshrl.u32 v1, $0x3  }
0x1e: {  	v1 =	vadd.s32 s24, v1  }
0x1f: {  	s16 =	rddreg [dreg:$0x4];
	v2 =	vshrl.u32 v2, $0x3;
	(v2sf) =	vpush v1, $0x0  }
0x20: {  	v2 =	vadd.s32 s16, v2  }
0x21: {  	(v2sf) =	vpush v2, $0x0;
	_ =	sdelay $0x1  }
0x22: {  	(v2sf) =	vpush v1, $0x1;
	_ =	sdelay $0x1  }
0x23: {  	(v2sf) =	vpush v2, $0x1;
	_ =	sdelay $0x1  }
0x24: {  	(v2sf) =	vpush v1, $0x2;
	_ =	sdelay $0x1  }
0x25: {  	(v2sf) =	vpush v2, $0x2;
	_ =	sdelay $0x1  }
0x26: {  	(v2sf) =	vpush v1, $0x3;
	_ =	sdelay $0x1  }
0x27: {  	(v2sf) =	vpush v2, $0x3  }
0x28: {  	s25 =	simm.s32 $0x400;
	s26 =	spop (v2sf)  }
0x29: {  	(v2sf) =	vpush v1, $0x4;
	[tilespmem:s25], [sflag:$0x1] =	stream.linear.gather [hbm4b:s26+s2], $0x8, $0x38;
	[tilespmem:$0x2680] =	vst v63  }
0x2a: {  	s28 =	simm.s32 $0x1400;
	s29 =	spop (v2sf);
	(v2sf) =	vpush v2, $0x4  }
0x2b: {  	[tilespmem:s28], [sflag:$0x1] =	stream.linear.gather [hbm4b:s29+s2], $0x8, $0x38;
	[tilespmem:$0x2680] =	vst v63  }
0x2c: {  	s30 =	simm.s32 $0x408;
	s31 =	spop (v2sf);
	(v2sf) =	vpush v1, $0x5  }
0x2d: {  	[tilespmem:s30], [sflag:$0x1] =	stream.linear.gather [hbm4b:s31+s2], $0x8, $0x38;
	[tilespmem:$0x2680] =	vst v63  }
0x2e: {  	s17 =	simm.s32 $0x1408;
	s18 =	spop (v2sf);
	(v2sf) =	vpush v2, $0x5  }
0x2f: {  	[tilespmem:s17], [sflag:$0x1] =	stream.linear.gather [hbm4b:s18+s2], $0x8, $0x38;
	[tilespmem:$0x2680] =	vst v63  }
0x30: {  	s19 =	simm.s32 $0x410;
	s20 =	spop (v2sf);
	(v2sf) =	vpush v1, $0x6  }
0x31: {  	[tilespmem:s19], [sflag:$0x1] =	stream.linear.gather [hbm4b:s20+s2], $0x8, $0x38;
	[tilespmem:$0x2680] =	vst v63  }
0x32: {  	s21 =	simm.s32 $0x1410;
	s22 =	spop (v2sf);
	(v2sf) =	vpush v2, $0x6  }
0x33: {  	[tilespmem:s21], [sflag:$0x1] =	stream.linear.gather [hbm4b:s22+s2], $0x8, $0x38;
	[tilespmem:$0x2680] =	vst v63  }
0x34: {  	s23 =	simm.s32 $0x418;
	s24 =	spop (v2sf);
	(v2sf) =	vpush v1, $0x7  }
0x35: {  	[tilespmem:s23], [sflag:$0x1] =	stream.linear.gather [hbm4b:s24+s2], $0x8, $0x38;
	[tilespmem:$0x2680] =	vst v63  }
0x36: {  	s25 =	simm.s32 $0x1418;
	s26 =	spop (v2sf);
	(v2sf) =	vpush v2, $0x7  }
0x37: {  	[tilespmem:s25], [sflag:$0x1] =	stream.linear.gather [hbm4b:s26+s2], $0x8, $0x38;
	[tilespmem:$0x2680] =	vst v63  }
0x38: {  	s29 =	spop (v2sf);
	(v2sf) =	vpush v1, $0x8  }
0x39: {  	s28 =	simm.s32 $0x420;
	s31 =	spop (v2sf)  }
0x3a: {  	(v2sf) =	vpush v2, $0x8;
	[tilespmem:s28], [sflag:$0x1] =	stream.linear.gather [hbm4b:s29+s2], $0x8, $0x38;
	[tilespmem:$0x2680] =	vst v63  }
0x3b: {  	s30 =	simm.s32 $0x1420;
	s18 =	spop (v2sf)  }
0x3c: {  	(v2sf) =	vpush v1, $0x9;
	[tilespmem:s30], [sflag:$0x1] =	stream.linear.gather [hbm4b:s31+s2], $0x8, $0x38;
	[tilespmem:$0x2680] =	vst v63  }
0x3d: {  	s17 =	simm.s32 $0x428;
	s20 =	spop (v2sf)  }
0x3e: {  	(v2sf) =	vpush v2, $0x9;
	[tilespmem:s17], [sflag:$0x1] =	stream.linear.gather [hbm4b:s18+s2], $0x8, $0x38;
	[tilespmem:$0x2680] =	vst v63  }
0x3f: {  	s19 =	simm.s32 $0x1428;
	s22 =	spop (v2sf)  }
0x40: {  	(v2sf) =	vpush v1, $0xA;
	[tilespmem:s19], [sflag:$0x1] =	stream.linear.gather [hbm4b:s20+s2], $0x8, $0x38;
	[tilespmem:$0x2680] =	vst v63  }
0x41: {  	s21 =	simm.s32 $0x430;
	s24 =	spop (v2sf)  }
0x42: {  	(v2sf) =	vpush v2, $0xA;
	[tilespmem:s21], [sflag:$0x1] =	stream.linear.gather [hbm4b:s22+s2], $0x8, $0x38;
	[tilespmem:$0x2680] =	vst v63  }
0x43: {  	s23 =	simm.s32 $0x1430;
	s26 =	spop (v2sf)  }
0x44: {  	(v2sf) =	vpush v1, $0xB;
	[tilespmem:s23], [sflag:$0x1] =	stream.linear.gather [hbm4b:s24+s2], $0x8, $0x38;
	[tilespmem:$0x2680] =	vst v63  }
0x45: {  	s25 =	simm.s32 $0x438;
	s29 =	spop (v2sf)  }
0x46: {  	(v2sf) =	vpush v2, $0xB;
	[tilespmem:s25], [sflag:$0x1] =	stream.linear.gather [hbm4b:s26+s2], $0x8, $0x38;
	[tilespmem:$0x2680] =	vst v63  }
0x47: {  	s28 =	simm.s32 $0x1438;
	s31 =	spop (v2sf)  }
0x48: {  	(v2sf) =	vpush v1, $0xC;
	[tilespmem:s28], [sflag:$0x1] =	stream.linear.gather [hbm4b:s29+s2], $0x8, $0x38;
	[tilespmem:$0x2680] =	vst v63  }
0x49: {  	s30 =	simm.s32 $0x440;
	s18 =	spop (v2sf)  }
0x4a: {  	(v2sf) =	vpush v2, $0xC;
	[tilespmem:s30], [sflag:$0x1] =	stream.linear.gather [hbm4b:s31+s2], $0x8, $0x38;
	[tilespmem:$0x2680] =	vst v63  }
0x4b: {  	s17 =	simm.s32 $0x1440;
	s20 =	spop (v2sf)  }
0x4c: {  	(v2sf) =	vpush v1, $0xD;
	[tilespmem:s17], [sflag:$0x1] =	stream.linear.gather [hbm4b:s18+s2], $0x8, $0x38;
	[tilespmem:$0x2680] =	vst v63  }
0x4d: {  	s19 =	simm.s32 $0x448;
	s22 =	spop (v2sf)  }
0x4e: {  	(v2sf) =	vpush v2, $0xD;
	[tilespmem:s19], [sflag:$0x1] =	stream.linear.gather [hbm4b:s20+s2], $0x8, $0x38;
	[tilespmem:$0x2680] =	vst v63  }
0x4f: {  	s21 =	simm.s32 $0x1448;
	s24 =	spop (v2sf)  }
0x50: {  	(v2sf) =	vpush v1, $0xE;
	[tilespmem:s21], [sflag:$0x1] =	stream.linear.gather [hbm4b:s22+s2], $0x8, $0x38;
	[tilespmem:$0x2680] =	vst v63  }
0x51: {  	s23 =	simm.s32 $0x450;
	s26 =	spop (v2sf)  }
0x52: {  	(v2sf) =	vpush v2, $0xE;
	[tilespmem:s23], [sflag:$0x1] =	stream.linear.gather [hbm4b:s24+s2], $0x8, $0x38;
	[tilespmem:$0x2680] =	vst v63  }
0x53: {  	s25 =	simm.s32 $0x1450;
	s29 =	spop (v2sf)  }
0x54: {  	(v2sf) =	vpush v1, $0xF;
	[tilespmem:s25], [sflag:$0x1] =	stream.linear.gather [hbm4b:s26+s2], $0x8, $0x38;
	[tilespmem:$0x2680] =	vst v63  }
0x55: {  	s28 =	simm.s32 $0x458;
	s31 =	spop (v2sf)  }
0x56: {  	(v2sf) =	vpush v2, $0xF;
	[tilespmem:s28], [sflag:$0x1] =	stream.linear.gather [hbm4b:s29+s2], $0x8, $0x38;
	[tilespmem:$0x2680] =	vst v63  }
0x57: {  	s30 =	simm.s32 $0x1458;
	s18 =	spop (v2sf)  }
0x58: {  	[tilespmem:s30], [sflag:$0x1] =	stream.linear.gather [hbm4b:s31+s2], $0x8, $0x38;
	[tilespmem:$0x2680] =	vst v63  }
0x59: {  	s17 =	simm.s32 $0x460;
	s20 =	spop (v2sf)  }
0x5a: {  	[tilespmem:s17], [sflag:$0x1] =	stream.linear.gather [hbm4b:s18+s2], $0x8, $0x38;
	[tilespmem:$0x2680] =	vst v63  }
0x5b: {  	s19 =	simm.s32 $0x1460;
	s22 =	spop (v2sf)  }
0x5c: {  	[tilespmem:s19], [sflag:$0x1] =	stream.linear.gather [hbm4b:s20+s2], $0x8, $0x38;
	[tilespmem:$0x2680] =	vst v63  }
0x5d: {  	s21 =	simm.s32 $0x468;
	s24 =	spop (v2sf)  }
0x5e: {  	[tilespmem:s21], [sflag:$0x1] =	stream.linear.gather [hbm4b:s22+s2], $0x8, $0x38;
	[tilespmem:$0x2680] =	vst v63  }
0x5f: {  	s15 =	simm.s32 $0x200;
	s23 =	simm.s32 $0x1468;
	s26 =	spop (v2sf)  }
0x60: {  	[tilespmem:s23], [sflag:$0x1] =	stream.linear.gather [hbm4b:s24+s2], $0x8, $0x38;
	[tilespmem:$0x2680] =	vst v63  }
0x61: {  	s16 =	simm.s32 $0x210;
	s25 =	simm.s32 $0x470;
	s29 =	spop (v2sf)  }
0x62: {  	[tilespmem:s25], [sflag:$0x1] =	stream.linear.gather [hbm4b:s26+s2], $0x8, $0x38;
	[tilespmem:$0x2680] =	vst v63  }
0x63: {  	s28 =	simm.s32 $0x1470;
	s30 =	simm.s32 $0x478;
	s31 =	spop (v2sf)  }
0x64: {  	[tilespmem:s28], [sflag:$0x1] =	stream.linear.gather [hbm4b:s29+s2], $0x8, $0x38;
	[tilespmem:$0x2680] =	vst v63  }
0x65: {  	s18 =	simm.s32 $0x1478;
	s17 =	simm.s32 $0x10;
	s19 =	spop (v2sf)  }
0x66: {  	[tilespmem:s30], [sflag:$0x1] =	stream.linear.gather [hbm4b:s31+s2], $0x8, $0x38;
	[tilespmem:$0x2680] =	vst v63  }
.LBB2_2:
0x67: {  	[tilespmem:s18], [sflag:$0x1] =	stream.linear.gather [hbm4b:s19+s2], $0x8, $0x38;
	[tilespmem:$0x2680] =	vst v63  }
0x68: {  	v1 =	vld [tilespmem:s17+$0x0];
	_ =	sdelay $0x1  }
0x69: {  	v3 =	vld [tilespmem:s16+$0x0];
	_ =	sdelay $0x2  }
0x6a: {  	s29 =	rddreg [dreg:$0x3];
	v1 =	vshrl.u32 v1, $0x3  }
0x6b: {  	v2 =	vadd.s32 s29, v1  }
0x6c: {  	s20 =	rddreg [dreg:$0x4];
	v1 =	vshrl.u32 v3, $0x3;
	(v2sf) =	vpush v2, $0x0  }
0x6d: {  	v1 =	vadd.s32 s20, v1  }
0x6e: {  	(v2sf) =	vpush v1, $0x0;
	_ =	sdelay $0x1  }
0x6f: {  	(v2sf) =	vpush v2, $0x1;
	_ =	sdelay $0x1  }
0x70: {  	(v2sf) =	vpush v1, $0x1;
	_ =	sdelay $0x1  }
0x71: {  	(v2sf) =	vpush v2, $0x2;
	_ =	sdelay $0x1  }
0x72: {  	(v2sf) =	vpush v1, $0x2;
	_ =	sdelay $0x1  }
0x73: {  	(v2sf) =	vpush v2, $0x3  }
0x74: {  	s28 =	smov.u32 s15  }
0x75: {  	s18 =	sshra.s32 s28, $0x2;
	(v2sf) =	vpush v1, $0x3  }
0x76: {  	s30 =	sadd.s32 $0x400, s18;
	s31 =	spop (v2sf)  }
0x77: {  	(v2sf) =	vpush v2, $0x4;
	[tilespmem:s30], [sflag:$0x1] =	stream.linear.gather [hbm4b:s31+s2], $0x8, $0x38;
	[tilespmem:$0x2680] =	vst v63  }
0x78: {  	s21 =	sadd.s32 $0x1400, s18;
	s22 =	spop (v2sf)  }
0x79: {  	(v2sf) =	vpush v1, $0x4;
	[tilespmem:s21], [sflag:$0x1] =	stream.linear.gather [hbm4b:s22+s2], $0x8, $0x38;
	[tilespmem:$0x2680] =	vst v63  }
0x7a: {  	s23 =	sadd.s32 $0x408, s18;
	s24 =	spop (v2sf)  }
0x7b: {  	(v2sf) =	vpush v2, $0x5;
	[tilespmem:s23], [sflag:$0x1] =	stream.linear.gather [hbm4b:s24+s2], $0x8, $0x38;
	[tilespmem:$0x2680] =	vst v63  }
0x7c: {  	s25 =	sadd.s32 $0x1408, s18;
	s26 =	spop (v2sf)  }
0x7d: {  	(v2sf) =	vpush v1, $0x5;
	[tilespmem:s25], [sflag:$0x1] =	stream.linear.gather [hbm4b:s26+s2], $0x8, $0x38;
	[tilespmem:$0x2680] =	vst v63  }
0x7e: {  	s28 =	sadd.s32 $0x410, s18;
	s29 =	spop (v2sf)  }
0x7f: {  	(v2sf) =	vpush v2, $0x6;
	[tilespmem:s28], [sflag:$0x1] =	stream.linear.gather [hbm4b:s29+s2], $0x8, $0x38;
	[tilespmem:$0x2680] =	vst v63  }
0x80: {  	s30 =	sadd.s32 $0x1410, s18;
	s31 =	spop (v2sf)  }
0x81: {  	(v2sf) =	vpush v1, $0x6;
	[tilespmem:s30], [sflag:$0x1] =	stream.linear.gather [hbm4b:s31+s2], $0x8, $0x38;
	[tilespmem:$0x2680] =	vst v63  }
0x82: {  	s21 =	sadd.s32 $0x418, s18;
	s22 =	spop (v2sf)  }
0x83: {  	(v2sf) =	vpush v2, $0x7;
	[tilespmem:s21], [sflag:$0x1] =	stream.linear.gather [hbm4b:s22+s2], $0x8, $0x38;
	[tilespmem:$0x2680] =	vst v63  }
0x84: {  	s23 =	sadd.s32 $0x1418, s18;
	s24 =	spop (v2sf)  }
0x85: {  	(v2sf) =	vpush v1, $0x7;
	[tilespmem:s23], [sflag:$0x1] =	stream.linear.gather [hbm4b:s24+s2], $0x8, $0x38;
	[tilespmem:$0x2680] =	vst v63  }
0x86: {  	s25 =	sadd.s32 $0x420, s18;
	s26 =	spop (v2sf)  }
0x87: {  	(v2sf) =	vpush v2, $0x8;
	[tilespmem:s25], [sflag:$0x1] =	stream.linear.gather [hbm4b:s26+s2], $0x8, $0x38;
	[tilespmem:$0x2680] =	vst v63  }
0x88: {  	s28 =	sadd.s32 $0x1420, s18;
	s29 =	spop (v2sf)  }
0x89: {  	(v2sf) =	vpush v1, $0x8;
	[tilespmem:s28], [sflag:$0x1] =	stream.linear.gather [hbm4b:s29+s2], $0x8, $0x38;
	[tilespmem:$0x2680] =	vst v63  }
0x8a: {  	s30 =	sadd.s32 $0x428, s18;
	s31 =	spop (v2sf)  }
0x8b: {  	(v2sf) =	vpush v2, $0x9;
	[tilespmem:s30], [sflag:$0x1] =	stream.linear.gather [hbm4b:s31+s2], $0x8, $0x38;
	[tilespmem:$0x2680] =	vst v63  }
0x8c: {  	s21 =	sadd.s32 $0x1428, s18;
	s22 =	spop (v2sf)  }
0x8d: {  	(v2sf) =	vpush v1, $0x9;
	[tilespmem:s21], [sflag:$0x1] =	stream.linear.gather [hbm4b:s22+s2], $0x8, $0x38;
	[tilespmem:$0x2680] =	vst v63  }
0x8e: {  	s23 =	sadd.s32 $0x430, s18;
	s24 =	spop (v2sf)  }
0x8f: {  	(v2sf) =	vpush v2, $0xA;
	[tilespmem:s23], [sflag:$0x1] =	stream.linear.gather [hbm4b:s24+s2], $0x8, $0x38;
	[tilespmem:$0x2680] =	vst v63  }
0x90: {  	s25 =	sadd.s32 $0x1430, s18;
	s26 =	spop (v2sf)  }
0x91: {  	(v2sf) =	vpush v1, $0xA;
	[tilespmem:s25], [sflag:$0x1] =	stream.linear.gather [hbm4b:s26+s2], $0x8, $0x38;
	[tilespmem:$0x2680] =	vst v63  }
0x92: {  	s28 =	sadd.s32 $0x438, s18;
	s29 =	spop (v2sf)  }
0x93: {  	(v2sf) =	vpush v2, $0xB;
	[tilespmem:s28], [sflag:$0x1] =	stream.linear.gather [hbm4b:s29+s2], $0x8, $0x38;
	[tilespmem:$0x2680] =	vst v63  }
0x94: {  	s30 =	sadd.s32 $0x1438, s18;
	s31 =	spop (v2sf)  }
0x95: {  	(v2sf) =	vpush v1, $0xB;
	[tilespmem:s30], [sflag:$0x1] =	stream.linear.gather [hbm4b:s31+s2], $0x8, $0x38;
	[tilespmem:$0x2680] =	vst v63  }
0x96: {  	s21 =	sadd.s32 $0x440, s18;
	s22 =	spop (v2sf)  }
0x97: {  	(v2sf) =	vpush v2, $0xC;
	[tilespmem:s21], [sflag:$0x1] =	stream.linear.gather [hbm4b:s22+s2], $0x8, $0x38;
	[tilespmem:$0x2680] =	vst v63  }
0x98: {  	s23 =	sadd.s32 $0x1440, s18;
	s24 =	spop (v2sf)  }
0x99: {  	(v2sf) =	vpush v1, $0xC;
	[tilespmem:s23], [sflag:$0x1] =	stream.linear.gather [hbm4b:s24+s2], $0x8, $0x38;
	[tilespmem:$0x2680] =	vst v63  }
0x9a: {  	s25 =	sadd.s32 $0x448, s18;
	s26 =	spop (v2sf)  }
0x9b: {  	(v2sf) =	vpush v2, $0xD;
	[tilespmem:s25], [sflag:$0x1] =	stream.linear.gather [hbm4b:s26+s2], $0x8, $0x38;
	[tilespmem:$0x2680] =	vst v63  }
0x9c: {  	s28 =	sadd.s32 $0x1448, s18;
	s29 =	spop (v2sf)  }
0x9d: {  	(v2sf) =	vpush v1, $0xD;
	[tilespmem:s28], [sflag:$0x1] =	stream.linear.gather [hbm4b:s29+s2], $0x8, $0x38;
	[tilespmem:$0x2680] =	vst v63  }
0x9e: {  	s30 =	sadd.s32 $0x450, s18;
	s31 =	spop (v2sf)  }
0x9f: {  	(v2sf) =	vpush v2, $0xE;
	[tilespmem:s30], [sflag:$0x1] =	stream.linear.gather [hbm4b:s31+s2], $0x8, $0x38;
	[tilespmem:$0x2680] =	vst v63  }
0xa0: {  	s21 =	sadd.s32 $0x1450, s18;
	s22 =	spop (v2sf)  }
0xa1: {  	(v2sf) =	vpush v1, $0xE;
	[tilespmem:s21], [sflag:$0x1] =	stream.linear.gather [hbm4b:s22+s2], $0x8, $0x38;
	[tilespmem:$0x2680] =	vst v63  }
0xa2: {  	s23 =	sadd.s32 $0x458, s18;
	s24 =	spop (v2sf);
	(v2sf) =	vpush v2, $0xF  }
0xa3: {  	[tilespmem:s23], [sflag:$0x1] =	stream.linear.gather [hbm4b:s24+s2], $0x8, $0x38;
	[tilespmem:$0x2680] =	vst v63  }
0xa4: {  	s25 =	sadd.s32 $0x1458, s18;
	s26 =	spop (v2sf);
	(v2sf) =	vpush v1, $0xF  }
0xa5: {  	[tilespmem:s25], [sflag:$0x1] =	stream.linear.gather [hbm4b:s26+s2], $0x8, $0x38;
	[tilespmem:$0x2680] =	vst v63  }
0xa6: {  	s28 =	sadd.s32 $0x460, s18;
	s29 =	spop (v2sf)  }
0xa7: {  	[tilespmem:s28], [sflag:$0x1] =	stream.linear.gather [hbm4b:s29+s2], $0x8, $0x38;
	[tilespmem:$0x2680] =	vst v63  }
0xa8: {  	s30 =	sadd.s32 $0x1460, s18;
	s31 =	spop (v2sf)  }
0xa9: {  	[tilespmem:s30], [sflag:$0x1] =	stream.linear.gather [hbm4b:s31+s2], $0x8, $0x38;
	[tilespmem:$0x2680] =	vst v63  }
0xaa: {  	s21 =	sadd.s32 $0x468, s18;
	s22 =	spop (v2sf)  }
0xab: {  	[tilespmem:s21], [sflag:$0x1] =	stream.linear.gather [hbm4b:s22+s2], $0x8, $0x38;
	[tilespmem:$0x2680] =	vst v63  }
0xac: {  	p0 =	sne.s32 s15, $0x3E00;
	s23 =	sadd.s32 $0x1468, s18;
	s24 =	spop (v2sf)  }
0xad: {  	[tilespmem:s23], [sflag:$0x1] =	stream.linear.gather [hbm4b:s24+s2], $0x8, $0x38;
	[tilespmem:$0x2680] =	vst v63  }
0xae: {  	s15 =	sadd.s32 $0x200, s15;
	s25 =	sadd.s32 $0x470, s18;
	s26 =	spop (v2sf)  }
0xaf: {  	[tilespmem:s25], [sflag:$0x1] =	stream.linear.gather [hbm4b:s26+s2], $0x8, $0x38;
	[tilespmem:$0x2680] =	vst v63  }
.Ltmp0:
0xb0: {  	s16 =	sadd.s32 $0x10, s16;
	s29 =	spop (v2sf);
	(pc) =	sbr.rel @p0 .LBB2_2-.Ltmp0, $4  }
0xb1: {  	s17 =	sadd.s32 $0x10, s17;
	s28 =	sadd.s32 $0x1470, s18;
	s31 =	spop (v2sf)  }
0xb2: {  	[tilespmem:s28], [sflag:$0x1] =	stream.linear.gather [hbm4b:s29+s2], $0x8, $0x38;
	[tilespmem:$0x2680] =	vst v63  }
0xb3: {  	s30 =	sadd.s32 $0x478, s18;
	s18 =	sadd.s32 $0x1478, s18;
	s19 =	spop (v2sf)  }
0xb4: {  	[tilespmem:s30], [sflag:$0x1] =	stream.linear.gather [hbm4b:s31+s2], $0x8, $0x38;
	[tilespmem:$0x2680] =	vst v63  }
0xb5: {  	[tilespmem:s18], [sflag:$0x1] =	stream.linear.gather [hbm4b:s19+s2], $0x8, $0x38;
	[tilespmem:$0x2680] =	vst v63  }
0xb6: {  	_ =	swait.ge [sflag:s9], $0x1000  }
0xb7: {  	[sflag:s9] =	ssyncset.done $0x0  }
0xb8: {  	[sflag:s9] =	ssyncadd.s32 $0xFFFFF000  }
0xb9: {  	_ =	swait.ge [sflag:s9], $0x1000  }
0xba: {  	[sflag:s9] =	ssyncset.done $0x0  }
0xbb: {  	s15 =	simm.s32 $0x0;
	[sflag:s9] =	ssyncadd.s32 $0xFFFFF000  }
0xbc: {  	s16 =	simm.s32 $0x200;
	v1 =	vld [tilespmem:s15+$0x0]  }
0xbd: {  	v2 =	vld [tilespmem:s16+$0x0];
	_ =	sdelay $0x3  }
0xbe: {  	v3 =	vor.u32 s15, v0;
	v1 =	vand.u32 $0x7, v1  }
0xbf: {  	v2 =	vand.u32 $0x7, v2;
	v1 =	vor.u32 v1, v3  }
0xc0: {  	v2 =	vor.u32 v2, v3;
	_ =	sdelay $0x3  }
0xc1: {  	v3 =	vld.idx.msk [tilespmem:v1+s10+$0x0], $0xffff  }
0xc2: {  	v2 =	vld.idx.msk [tilespmem:v2+s11+$0x0], $0xffff;
	_ =	sdelay $0x1  }
0xc3: {  	v1 =	vld.msk [tilespmem:$0x2400 ss:$0x0], $0xffff;
	_ =	sdelay $0x2  }
0xc4: {  	v2 =	vadd.f32 v2, v3;
	_ =	sdelay $0x1  }
0xc5: {  	v2 =	vadd.f32 v2, v1;
	_ =	sdelay $0x1  }
0xc6: {  	v2 =	vsub.f32 $0.0e+00, v2;
	_ =	sdelay $0x1  }
0xc7: {  	v2 =	vmul.f32 $1.442695020e+00, v2;
	_ =	sdelay $0x1  }
0xc8: {  	(erf) = vpow2.f32 v2;
	_ =	sdelay $0x8  }
0xc9: {  	v2 =	vpop (erf)  }
0xca: {  	v2 =	vadd.f32 $1.000000000e+00, v2;
	_ =	sdelay $0x1  }
0xcb: {  	(erf) = vrcp.f32 v2;
	_ =	sdelay $0x8  }
0xcc: {  	s15 =	simm.s32 $0x2480;
	v2 =	vpop (erf)  }
0xcd: {  	s16 =	simm.s32 $0x10;
	[tilespmem:s15+$0x0] =	vst v2  }
0xce: {  	s18 =	simm.s32 $0x210;
	v2 =	vld [tilespmem:s16+$0x0]  }
0xcf: {  	s17 =	simm.s32 $0x80;
	s19 =	simm.s32 $0x100;
	v3 =	vld [tilespmem:s18+$0x0]  }
.LBB2_4:
0xd0: {  	p0 =	sne.s32 s19, $0xF80;
	_ =	sdelay $0x2  }
0xd1: {  	v4 =	vor.u32 s17, v0;
	s17 =	smov.u32 s19;
	v2 =	vand.u32 $0x7, v2  }
0xd2: {  	v3 =	vand.u32 $0x7, v3;
	v2 =	vor.u32 v2, v4  }
0xd3: {  	v3 =	vor.u32 v3, v4;
	_ =	sdelay $0x3  }
0xd4: {  	v2 =	vld.idx.msk [tilespmem:v2+s10+$0x0], $0xffff  }
0xd5: {  	v3 =	vld.idx.msk [tilespmem:v3+s11+$0x0], $0xffff;
	_ =	sdelay $0x5  }
0xd6: {  	v2 =	vadd.f32 v3, v2;
	_ =	sdelay $0x1  }
0xd7: {  	v2 =	vadd.f32 v2, v1;
	_ =	sdelay $0x1  }
0xd8: {  	v2 =	vsub.f32 $0.0e+00, v2;
	_ =	sdelay $0x1  }
0xd9: {  	v2 =	vmul.f32 $1.442695020e+00, v2;
	_ =	sdelay $0x1  }
0xda: {  	(erf) = vpow2.f32 v2;
	_ =	sdelay $0x8  }
0xdb: {  	v2 =	vpop (erf)  }
0xdc: {  	v2 =	vadd.f32 $1.000000000e+00, v2;
	_ =	sdelay $0x1  }
0xdd: {  	(erf) = vrcp.f32 v2;
	_ =	sdelay $0x7  }
.Ltmp1:
0xde: {  	(pc) =	sbr.rel @p0 .LBB2_4-.Ltmp1, $4  }
0xdf: {  	s15 =	sadd.s32 $0x10, s15;
	v2 =	vpop (erf)  }
0xe0: {  	s16 =	sadd.s32 $0x10, s16;
	[tilespmem:s15+$0x0] =	vst v2  }
0xe1: {  	s18 =	sadd.s32 $0x10, s18;
	v2 =	vld [tilespmem:s16+$0x0]  }
0xe2: {  	s19 =	sadd.s32 $0x80, s19;
	v3 =	vld [tilespmem:s18+$0x0]  }
0xe3: {  	_ =	sdelay $0x2  }
0xe4: {  	v4 =	vor.u32 s17, v0;
	v2 =	vand.u32 $0x7, v2  }
0xe5: {  	v3 =	vand.u32 $0x7, v3;
	v2 =	vor.u32 v2, v4  }
0xe6: {  	v3 =	vor.u32 v3, v4;
	_ =	sdelay $0x3  }
0xe7: {  	v2 =	vld.idx.msk [tilespmem:v2+s10+$0x0], $0xffff  }
0xe8: {  	v3 =	vld.idx.msk [tilespmem:v3+s11+$0x0], $0xffff;
	_ =	sdelay $0x4  }
0xe9: {  	v2 =	vadd.f32 v3, v2;
	_ =	sdelay $0x1  }
0xea: {  	v1 =	vadd.f32 v2, v1;
	_ =	sdelay $0x1  }
0xeb: {  	v1 =	vsub.f32 $0.0e+00, v1;
	_ =	sdelay $0x1  }
0xec: {  	v1 =	vmul.f32 $1.442695020e+00, v1;
	_ =	sdelay $0x1  }
0xed: {  	(erf) = vpow2.f32 v1;
	_ =	sdelay $0x8  }
0xee: {  	v1 =	vpop (erf)  }
0xef: {  	v1 =	vadd.f32 $1.000000000e+00, v1;
	_ =	sdelay $0x1  }
0xf0: {  	(erf) = vrcp.f32 v1;
	_ =	sdelay $0x7  }
0xf1: {  	s14 =	sadd.s32 $0x1, s14  }
0xf2: {  	s15 =	sadd.s32 $0x10, s15;
	p0 =	sne.s32 s14, s7;
	v1 =	vpop (erf)  }
.Ltmp2:
0xf3: {  	[tilespmem:s15+$0x0] =	vst v1;
	(pc) =	sbr.rel @p0 .LBB2_1-.Ltmp2, $4  }
0xf4: {  	[hbm4b:s6+s2] =	stream.linear.scatter [tilespmem:s12], [sflag:$0x2], $0x200, $0x38;
	[tilespmem:$0x2680] =	vst v63  }
0xf5: {  	_ =	swait.ge [sflag:s13], $0x200  }
0xf6: {  	[sflag:s13] =	ssyncset.done $0x0  }
0xf7: {  	[sflag:s13] =	ssyncadd.s32 $0xFFFFFE00  }
0xf8: {  	_ =	sfence.sel $0x180000  }
0xf9: {  	[bflag:$0x0] =	sbarrier.arrive $0xFFFF  }
0xfa: {  	p0 =	sne.s32 s1, $0x0;
	_ =	strace $0x90000047  }
0xfb: {  	s0 =	sadd.s32 @!p0 $0x100000, s0;
	[bflag:$0x2] =	sbarrier.arrive $0xFFFF  }
0xfc: {  	[sflag:s0] =	ssyncadd.tile.s32 @!p0 $0x1;
	_ =	shalt  }
.Lfunc_end2:
_tile_overlayer_lowered:
.L_overlay_start_2:
0xfd: {  	(tag) =	ssettag $0x2  }
0xfe: {  	s0 =	rddreg [dreg:$0x0];
	s2 =	stileid.u32  }
0xff: {  	s1 =	rddreg [dreg:$0x1];
	p0 =	sne.s32 s2, $0x0  }
0x100: {  	s3 =	rddreg [dreg:$0x2];
	[bflag:$0x3] =	sbarrier.arrive $0xFFFF;
	s2 =	simm.s32 @!p0 $0x1C02  }
0x101: {  	[timem:s3], [sflag:s2] =	dma.local @!p0 [hbm:s0], s1  }
0x102: {  	s0 =	simm.s32 @!p0 $0x2  }
0x103: {  	_ =	swait.ge @!p0 [sflag:s0], s1  }
0x104: {  	s1 =	ssub.s32 @!p0 $0x0, s1;
	[sflag:s0] =	ssyncset.done @!p0 $0x0  }
0x105: {  	[sflag:s0] =	ssyncadd.s32 @!p0 s1  }
0x106: {  	[bflag:$0x3] =	sbarrier.arrive $0xFFFF  }
0x107: {  	_ =	shalt  }

</sc_bundles>
